<compile_context>
chip_gen: v7x
topology: tpu7x:2x2x1
jax: 0.10.2.dev20260603
libtpu: 0.0.44.dev20260713+nightly
codegen_flags: <defaults>
</compile_context>

<pallas_src>
import functools

import jax
import jax.numpy as jnp
from jax import lax
from jax.experimental import pallas as pl
from jax.experimental.pallas import tpu as pltpu
from jax.experimental.pallas import tpu_sc as plsc

EPS = 1e-5
NC = 2
NS = 16


def _sc_scatter(edge_rows, col, N):
    E, H = edge_rows.shape
    W = 2 * H
    per_tile = E // NS
    chunk = 80
    iters = per_tile // chunk
    rows_per_tile = (N + NC * NS * 8 - 1) // (NC * NS * 8) * 8
    half = rows_per_tile * NS
    Np = half * NC
    stage_iters = rows_per_tile // chunk
    mesh = plsc.VectorSubcoreMesh(core_axis_name="c", subcore_axis_name="s")

    @functools.partial(
        pl.kernel,
        out_type=jax.ShapeDtypeStruct((Np, 2, H), jnp.float32),
        mesh=mesh,
        scratch_types=[
            pltpu.VMEM_SHARED((half + 8, 2, H), jnp.float32),
            pltpu.VMEM((chunk,), jnp.int32),
            pltpu.VMEM((chunk, 2, H), jnp.float32),
            pltpu.VMEM((chunk,), jnp.int32),
            pltpu.VMEM((chunk, 2, H), jnp.float32),
            pltpu.SemaphoreType.DMA,
            pltpu.SemaphoreType.DMA,
            pltpu.SemaphoreType.DMA,
            pltpu.SemaphoreType.DMA,
        ],
    )
    def k(rows_hbm, col_hbm, sums_hbm, acc, idx_v0, rows_v0,
          idx_v1, rows_v1, rsem0, rsem1, ssem0, ssem1):
        idx_v, rows_v = idx_v0, rows_v0
        c = lax.axis_index("c")
        s = lax.axis_index("s")
        base = s * per_tile
        my_rows = s * rows_per_tile
        lo = c * half

        @pl.loop(0, chunk)
        def fill(i):
            for sl in range(2):
                for j in range(H // 16):
                    rows_v0[i, sl, pl.ds(16 * j, 16)] = (
                        jnp.zeros((16,), jnp.float32))
                    rows_v1[i, sl, pl.ds(16 * j, 16)] = (
                        jnp.zeros((16,), jnp.float32))

        @pl.loop(0, stage_iters)
        def zero(i):
            off = my_rows + i * chunk
            pltpu.sync_copy(rows_v, acc.at[pl.ds(off, chunk)])

        @pl.when(s == 0)
        def zero_trash():
            pltpu.sync_copy(rows_v.at[pl.ds(0, 8)], acc.at[pl.ds(half, 8)])

        one_hot = jnp.where(lax.iota(jnp.int32, 16) == 0,
                            jnp.float32(1), jnp.float32(0))

        @pl.loop(0, chunk)
        def fill1(i):
            rows_v0[i, 1, pl.ds(0, 16)] = one_hot
            rows_v1[i, 1, pl.ds(0, 16)] = one_hot

        plsc.subcore_barrier()

        lo16 = jnp.full((16,), lo, jnp.int32)
        bufs = ((idx_v0, rows_v0, rsem0, ssem0),
                (idx_v1, rows_v1, rsem1, ssem1))

        def start_read(b, off):
            ib, rb, sem, _ = bufs[b]
            pltpu.async_copy(col_hbm.at[pl.ds(off, chunk)], ib, sem)
            pltpu.async_copy(rows_hbm.at[pl.ds(off, chunk)], rb.at[:, 0], sem)

        def wait_read(b):
            ib, rb, sem, _ = bufs[b]
            pltpu.make_async_copy(col_hbm.at[pl.ds(0, chunk)], ib, sem).wait()
            pltpu.make_async_copy(rows_hbm.at[pl.ds(0, chunk)],
                                  rb.at[:, 0], sem).wait()

        start_read(0, base)
        start_read(1, base + chunk)

        @pl.loop(0, iters, step=2)
        def body(t):
            for b in range(2):
                ib, rb, _, ssem = bufs[b]
                wait_read(b)
                for g in range(chunk // 16):
                    v = ib[pl.ds(16 * g, 16)] - lo16
                    ok = (v >= 0) & (v < half)
                    ib[pl.ds(16 * g, 16)] = jnp.where(
                        ok, v, jnp.full((16,), half, jnp.int32))
                pltpu.sync_copy(rb, acc.at[ib], add=True)
                jj = t + b

                @pl.when(jj + 2 < iters)
                def prefetch():
                    start_read(b, base + (jj + 2) * chunk)

        plsc.subcore_barrier()

        @pl.loop(0, stage_iters)
        def pub(i):
            off = my_rows + i * chunk
            pltpu.sync_copy(acc.at[pl.ds(off, chunk)], rows_v)
            pltpu.sync_copy(rows_v, sums_hbm.at[pl.ds(lo + off, chunk)])

    return k(edge_rows, col)


def _edge_mlp_body(a_ref, w0, b0, w1, b1, w2, b2, w3, b3, g, bt, out_ref):
    a = a_ref[...]
    h = jnp.maximum(jnp.dot(a, w0[...], preferred_element_type=jnp.float32) + b0[...], 0.0)
    h = jnp.maximum(jnp.dot(h, w1[...], preferred_element_type=jnp.float32) + b1[...], 0.0)
    h = jnp.maximum(jnp.dot(h, w2[...], preferred_element_type=jnp.float32) + b2[...], 0.0)
    h = jnp.dot(h, w3[...], preferred_element_type=jnp.float32) + b3[...]
    mu = jnp.mean(h, axis=-1, keepdims=True)
    var = jnp.mean((h - mu) ** 2, axis=-1, keepdims=True)
    ln = (h - mu) * jax.lax.rsqrt(var + EPS) * g[...] + bt[...]
    out_ref[...] = a + ln


def _node_mlp_body(x_ref, s_ref, w0a, w0b, b0, w1, b1, w2, b2, w3, b3,
                   g, bt, out_ref):
    x = x_ref[...]
    s = s_ref[...]
    cnt = jnp.maximum(s[:, 1, 0:1], 1.0)
    agg = s[:, 0, :] / cnt
    h = jnp.dot(x, w0a[...], preferred_element_type=jnp.float32)
    h = h + jnp.dot(agg, w0b[...], preferred_element_type=jnp.float32)
    h = jnp.maximum(h + b0[...], 0.0)
    h = jnp.maximum(jnp.dot(h, w1[...], preferred_element_type=jnp.float32) + b1[...], 0.0)
    h = jnp.maximum(jnp.dot(h, w2[...], preferred_element_type=jnp.float32) + b2[...], 0.0)
    h = jnp.dot(h, w3[...], preferred_element_type=jnp.float32) + b3[...]
    mu = jnp.mean(h, axis=-1, keepdims=True)
    var = jnp.mean((h - mu) ** 2, axis=-1, keepdims=True)
    ln = (h - mu) * jax.lax.rsqrt(var + EPS) * g[...] + bt[...]
    out_ref[...] = x + ln


def _full(shape):
    return pl.BlockSpec(shape, lambda i: (0,) * len(shape))


def _edge_mlp(edge_attr, ew, eb, eg, ebt, tile):
    E, H = edge_attr.shape
    grid = E // tile
    specs = [pl.BlockSpec((tile, H), lambda i: (i, 0))]
    args = [edge_attr]
    for w, b in zip(ew, eb):
        specs += [_full((H, H)), _full((1, H))]
        args += [w, b.reshape(1, H)]
    specs += [_full((1, H)), _full((1, H))]
    args += [eg.reshape(1, H), ebt.reshape(1, H)]
    return pl.pallas_call(
        _edge_mlp_body,
        grid=(grid,),
        in_specs=specs,
        out_specs=pl.BlockSpec((tile, H), lambda i: (i, 0)),
        out_shape=jax.ShapeDtypeStruct((E, H), jnp.float32),
    )(*args)


def _node_mlp(x, sums, nw, nb, ng, nbt, tile):
    N, H = x.shape
    grid = N // tile
    row = lambda shape: pl.BlockSpec(shape, lambda i: (i, 0))
    specs = [row((tile, H)),
             pl.BlockSpec((tile, 2, H), lambda i: (i, 0, 0)),
             _full((H, H)), _full((H, H)), _full((1, H))]
    args = [x, sums, nw[0][:H], nw[0][H:], nb[0].reshape(1, H)]
    for w, b in zip(nw[1:], nb[1:]):
        specs += [_full((H, H)), _full((1, H))]
        args += [w, b.reshape(1, H)]
    specs += [_full((1, H)), _full((1, H))]
    args += [ng.reshape(1, H), nbt.reshape(1, H)]
    return pl.pallas_call(
        _node_mlp_body,
        grid=(grid,),
        in_specs=specs,
        out_specs=row((tile, H)),
        out_shape=jax.ShapeDtypeStruct((N, H), jnp.float32),
    )(*args)


def kernel(x, edge_index, edge_attr, ew0, eb0, ew1, eb1, ew2, eb2, ew3, eb3,
           eg, ebt, nw0, nb0, nw1, nb1, nw2, nb2, nw3, nb3, ng, nbt):
    N, H = x.shape
    E = edge_attr.shape[0]
    col = edge_index[1]

    edge_attr_out = _edge_mlp(edge_attr, [ew0, ew1, ew2, ew3],
                              [eb0, eb1, eb2, eb3], eg, ebt, tile=1280)

    sums = _sc_scatter(edge_attr_out, col, N)

    x_out = _node_mlp(x, sums, [nw0, nw1, nw2, nw3],
                      [nb0, nb1, nb2, nb3], ng, nbt, tile=1000)
    return (x_out, edge_attr_out)

# --- scband reference (transcript-rebuilt; emitter-appended) ---
"""Pipeline reference for scband-mesh-graph-net-layer-v2-38345468018698 (READ-ONLY COPY).

The authoritative reference and input builder live on the scoring server;
editing this copy changes nothing except your own understanding.
"""

import jax, jax.numpy as jnp
import numpy as np

N = 10000
E = 320000
H = 128
EPS = 1e-5


def _mlp(h, Ws, bs, g, beta):
    # Linear+ReLU, then 2x (Linear+ReLU+Dropout[eval=identity]), then Linear, then LayerNorm
    h = jax.nn.relu(h @ Ws[0] + bs[0])
    h = jax.nn.relu(h @ Ws[1] + bs[1])
    h = jax.nn.relu(h @ Ws[2] + bs[2])
    h = h @ Ws[3] + bs[3]
    mu = jnp.mean(h, axis=-1, keepdims=True)
    var = jnp.mean((h - mu) ** 2, axis=-1, keepdims=True)
    return (h - mu) / jnp.sqrt(var + EPS) * g + beta


def setup_inputs(seed: int = 0) -> dict:
    key = jax.random.key(seed)
    ks = jax.random.split(key, 32)
    d = {}
    d["x"] = jax.random.normal(ks[0], (N, H), dtype=jnp.float32)
    d["edge_index"] = jax.random.randint(ks[1], (2, E), 0, N, dtype=jnp.int32)
    d["edge_attr"] = jax.random.normal(ks[2], (E, H), dtype=jnp.float32)
    # edge_mlp params (in=H, hid=H, out=H)
    s = 1.0 / np.sqrt(H)
    for i in range(4):
        fan_in = H
        d[f"ew{i}"] = jax.random.uniform(ks[3 + i], (fan_in, H), jnp.float32, -s, s)
        d[f"eb{i}"] = jax.random.uniform(ks[7 + i], (H,), jnp.float32, -s, s)
    d["eg"] = jnp.ones((H,), jnp.float32)
    d["ebt"] = jnp.zeros((H,), jnp.float32)
    # node_mlp params (in=2H, hid=H, out=H)
    s2 = 1.0 / np.sqrt(2 * H)
    d["nw0"] = jax.random.uniform(ks[11], (2 * H, H), jnp.float32, -s2, s2)
    d["nb0"] = jax.random.uniform(ks[12], (H,), jnp.float32, -s2, s2)
    for i in range(1, 4):
        d[f"nw{i}"] = jax.random.uniform(ks[12 + 2 * i], (H, H), jnp.float32, -s, s)
        d[f"nb{i}"] = jax.random.uniform(ks[13 + 2 * i], (H,), jnp.float32, -s, s)
    d["ng"] = jnp.ones((H,), jnp.float32)
    d["nbt"] = jnp.zeros((H,), jnp.float32)
    return d


def reference(x, edge_index, edge_attr,
              ew0, eb0, ew1, eb1, ew2, eb2, ew3, eb3, eg, ebt,
              nw0, nb0, nw1, nb1, nw2, nb2, nw3, nb3, ng, nbt):
    row = edge_index[0]
    col = edge_index[1]
    e_upd = _mlp(edge_attr, [ew0, ew1, ew2, ew3], [eb0, eb1, eb2, eb3], eg, ebt)
    edge_attr_out = edge_attr + e_upd
    # scatter_mean over destination nodes (col), dim_size = N
    seg_sum = jax.ops.segment_sum(edge_attr_out, col, num_segments=x.shape[0])
    cnt = jax.ops.segment_sum(jnp.ones((edge_attr_out.shape[0],), jnp.float32), col, num_segments=x.shape[0])
    agg = seg_sum / jnp.maximum(cnt, 1.0)[:, None]
    n_in = jnp.concatenate([x, agg], axis=-1)
    n_upd = _mlp(n_in, [nw0, nw1, nw2, nw3], [nb0, nb1, nb2, nb3], ng, nbt)
    x_out = x + n_upd
    return (x_out, edge_attr_out)

if __name__ == "__main__":
    import jax
    _d = setup_inputs()
    print(jax.jit(kernel)(*tuple(_d.values())))

</pallas_src>

<mosaic_0001>
#map = affine_map<(d0, d1) -> (0, 0)>
#map1 = affine_map<(d0, d1) -> (0)>
#map2 = affine_map<(d0, d1) -> (0, 0, 0)>
module attributes {stable_mosaic.version = 14 : i64} {
  func.func @k(%arg0: i32, %arg1: i32, %arg2: memref<320000x128xf32, #tpu.memory_space<hbm>>, %arg3: memref<320000xi32, #tpu.memory_space<hbm>>, %arg4: memref<10240x2x128xf32, #tpu.memory_space<hbm>>, %arg5: memref<5128x2x128xf32, #tpu.memory_space<vmem_shared>>, %arg6: memref<80xi32, #tpu.memory_space<vmem>>, %arg7: memref<80x2x128xf32, #tpu.memory_space<vmem>>, %arg8: memref<80xi32, #tpu.memory_space<vmem>>, %arg9: memref<80x2x128xf32, #tpu.memory_space<vmem>>, %arg10: memref<!tpu.dma_semaphore, #tpu.memory_space<semaphore_mem>>, %arg11: memref<!tpu.dma_semaphore, #tpu.memory_space<semaphore_mem>>, %arg12: memref<!tpu.dma_semaphore, #tpu.memory_space<semaphore_mem>>, %arg13: memref<!tpu.dma_semaphore, #tpu.memory_space<semaphore_mem>>) attributes {dimension_semantics = [#tpu.dimension_semantics<core_parallel>, #tpu.dimension_semantics<subcore_parallel>], iteration_bounds = array<i64: 2, 16>, scalar_prefetch = 0 : i64, scratch_operands = 9 : i64, tpu.core_type = #tpu.core_type<sc_vector_subcore>, window_params = [{transform_indices = #map}, {transform_indices = #map1}, {transform_indices = #map2}]} {
    %mul3A = arith.constant 20000 : i32
    %mul3A_0 = arith.muli %arg1, %mul3A : i32
    %mul3A_1 = arith.constant 320 : i32
    %mul3A_2 = arith.muli %arg1, %mul3A_1 : i32
    %mul3A_3 = arith.constant 5120 : i32
    %mul3A_4 = arith.muli %arg0, %mul3A_3 : i32
    %scan3A = arith.constant 0 : i32
    %scan3A_5 = arith.constant 80 : i32
    %scan3A_6 = arith.addi %scan3A, %scan3A_5 : i32
    %scan3A_7 = arith.constant 1 : i32
    scf.for %scan3A_68 = %scan3A to %scan3A_6 step %scan3A_7  : i32 {
      %mul3A_69 = arith.constant 1 : i32
      %mul3A_70 = arith.muli %scan3A_68, %mul3A_69 : i32
      %add3A_71 = arith.constant 0 : i32
      %add3A_72 = arith.addi %add3A_71, %mul3A_70 : i32
      %broadcast_in_dim3A_73 = arith.constant 0.000000e+00 : f32
      %broadcast_in_dim3A_74 = vector.broadcast %broadcast_in_dim3A_73 : f32 to vector<16xf32>
      %swap3A = arith.constant 0 : i32
      %swap3A_75 = arith.index_cast %add3A_72 : i32 to index
      %swap3A_76 = arith.index_cast %swap3A : i32 to index
      %swap3A_77 = arith.constant 0 : index
      %swap3A_78 = tpu.vector_load %arg7[%swap3A_75, %swap3A_76, %swap3A_77] {strides = array<i32>} : memref<80x2x128xf32, #tpu.memory_space<vmem>>, vector<1x1x16xf32>,
      %swap3A_79 = vector.shape_cast %swap3A_78 : vector<1x1x16xf32> to vector<16xf32>
      %swap3A_80 = vector.shape_cast %broadcast_in_dim3A_74 : vector<16xf32> to vector<1x1x16xf32>
      tpu.vector_store %arg7[%swap3A_75, %swap3A_76, %swap3A_77], %swap3A_80 {strides = array<i32>} : memref<80x2x128xf32, #tpu.memory_space<vmem>>, vector<1x1x16xf32>,
      %broadcast_in_dim3A_81 = arith.constant 0.000000e+00 : f32
      %broadcast_in_dim3A_82 = vector.broadcast %broadcast_in_dim3A_81 : f32 to vector<16xf32>
      %swap3A_83 = arith.constant 0 : i32
      %swap3A_84 = arith.index_cast %add3A_72 : i32 to index
      %swap3A_85 = arith.index_cast %swap3A_83 : i32 to index
      %swap3A_86 = arith.constant 0 : index
      %swap3A_87 = tpu.vector_load %arg9[%swap3A_84, %swap3A_85, %swap3A_86] {strides = array<i32>} : memref<80x2x128xf32, #tpu.memory_space<vmem>>, vector<1x1x16xf32>,
      %swap3A_88 = vector.shape_cast %swap3A_87 : vector<1x1x16xf32> to vector<16xf32>
      %swap3A_89 = vector.shape_cast %broadcast_in_dim3A_82 : vector<16xf32> to vector<1x1x16xf32>
      tpu.vector_store %arg9[%swap3A_84, %swap3A_85, %swap3A_86], %swap3A_89 {strides = array<i32>} : memref<80x2x128xf32, #tpu.memory_space<vmem>>, vector<1x1x16xf32>,
      %broadcast_in_dim3A_90 = arith.constant 0.000000e+00 : f32
      %broadcast_in_dim3A_91 = vector.broadcast %broadcast_in_dim3A_90 : f32 to vector<16xf32>
      %swap3A_92 = arith.constant 0 : i32
      %swap3A_93 = arith.index_cast %add3A_72 : i32 to index
      %swap3A_94 = arith.index_cast %swap3A_92 : i32 to index
      %swap3A_95 = arith.constant 16 : index
      %swap3A_96 = tpu.vector_load %arg7[%swap3A_93, %swap3A_94, %swap3A_95] {strides = array<i32>} : memref<80x2x128xf32, #tpu.memory_space<vmem>>, vector<1x1x16xf32>,
      %swap3A_97 = vector.shape_cast %swap3A_96 : vector<1x1x16xf32> to vector<16xf32>
      %swap3A_98 = vector.shape_cast %broadcast_in_dim3A_91 : vector<16xf32> to vector<1x1x16xf32>
      tpu.vector_store %arg7[%swap3A_93, %swap3A_94, %swap3A_95], %swap3A_98 {strides = array<i32>} : memref<80x2x128xf32, #tpu.memory_space<vmem>>, vector<1x1x16xf32>,
      %broadcast_in_dim3A_99 = arith.constant 0.000000e+00 : f32
      %broadcast_in_dim3A_100 = vector.broadcast %broadcast_in_dim3A_99 : f32 to vector<16xf32>
      %swap3A_101 = arith.constant 0 : i32
      %swap3A_102 = arith.index_cast %add3A_72 : i32 to index
      %swap3A_103 = arith.index_cast %swap3A_101 : i32 to index
      %swap3A_104 = arith.constant 16 : index
      %swap3A_105 = tpu.vector_load %arg9[%swap3A_102, %swap3A_103, %swap3A_104] {strides = array<i32>} : memref<80x2x128xf32, #tpu.memory_space<vmem>>, vector<1x1x16xf32>,
      %swap3A_106 = vector.shape_cast %swap3A_105 : vector<1x1x16xf32> to vector<16xf32>
      %swap3A_107 = vector.shape_cast %broadcast_in_dim3A_100 : vector<16xf32> to vector<1x1x16xf32>
      tpu.vector_store %arg9[%swap3A_102, %swap3A_103, %swap3A_104], %swap3A_107 {strides = array<i32>} : memref<80x2x128xf32, #tpu.memory_space<vmem>>, vector<1x1x16xf32>,
      %broadcast_in_dim3A_108 = arith.constant 0.000000e+00 : f32
      %broadcast_in_dim3A_109 = vector.broadcast %broadcast_in_dim3A_108 : f32 to vector<16xf32>
      %swap3A_110 = arith.constant 0 : i32
      %swap3A_111 = arith.index_cast %add3A_72 : i32 to index
      %swap3A_112 = arith.index_cast %swap3A_110 : i32 to index
      %swap3A_113 = arith.constant 32 : index
      %swap3A_114 = tpu.vector_load %arg7[%swap3A_111, %swap3A_112, %swap3A_113] {strides = array<i32>} : memref<80x2x128xf32, #tpu.memory_space<vmem>>, vector<1x1x16xf32>,
      %swap3A_115 = vector.shape_cast %swap3A_114 : vector<1x1x16xf32> to vector<16xf32>
      %swap3A_116 = vector.shape_cast %broadcast_in_dim3A_109 : vector<16xf32> to vector<1x1x16xf32>
      tpu.vector_store %arg7[%swap3A_111, %swap3A_112, %swap3A_113], %swap3A_116 {strides = array<i32>} : memref<80x2x128xf32, #tpu.memory_space<vmem>>, vector<1x1x16xf32>,
      %broadcast_in_dim3A_117 = arith.constant 0.000000e+00 : f32
      %broadcast_in_dim3A_118 = vector.broadcast %broadcast_in_dim3A_117 : f32 to vector<16xf32>
      %swap3A_119 = arith.constant 0 : i32
      %swap3A_120 = arith.index_cast %add3A_72 : i32 to index
      %swap3A_121 = arith.index_cast %swap3A_119 : i32 to index
      %swap3A_122 = arith.constant 32 : index
      %swap3A_123 = tpu.vector_load %arg9[%swap3A_120, %swap3A_121, %swap3A_122] {strides = array<i32>} : memref<80x2x128xf32, #tpu.memory_space<vmem>>, vector<1x1x16xf32>,
      %swap3A_124 = vector.shape_cast %swap3A_123 : vector<1x1x16xf32> to vector<16xf32>
      %swap3A_125 = vector.shape_cast %broadcast_in_dim3A_118 : vector<16xf32> to vector<1x1x16xf32>
      tpu.vector_store %arg9[%swap3A_120, %swap3A_121, %swap3A_122], %swap3A_125 {strides = array<i32>} : memref<80x2x128xf32, #tpu.memory_space<vmem>>, vector<1x1x16xf32>,
      %broadcast_in_dim3A_126 = arith.constant 0.000000e+00 : f32
      %broadcast_in_dim3A_127 = vector.broadcast %broadcast_in_dim3A_126 : f32 to vector<16xf32>
      %swap3A_128 = arith.constant 0 : i32
      %swap3A_129 = arith.index_cast %add3A_72 : i32 to index
      %swap3A_130 = arith.index_cast %swap3A_128 : i32 to index
      %swap3A_131 = arith.constant 48 : index
      %swap3A_132 = tpu.vector_load %arg7[%swap3A_129, %swap3A_130, %swap3A_131] {strides = array<i32>} : memref<80x2x128xf32, #tpu.memory_space<vmem>>, vector<1x1x16xf32>,
      %swap3A_133 = vector.shape_cast %swap3A_132 : vector<1x1x16xf32> to vector<16xf32>
      %swap3A_134 = vector.shape_cast %broadcast_in_dim3A_127 : vector<16xf32> to vector<1x1x16xf32>
      tpu.vector_store %arg7[%swap3A_129, %swap3A_130, %swap3A_131], %swap3A_134 {strides = array<i32>} : memref<80x2x128xf32, #tpu.memory_space<vmem>>, vector<1x1x16xf32>,
      %broadcast_in_dim3A_135 = arith.constant 0.000000e+00 : f32
      %broadcast_in_dim3A_136 = vector.broadcast %broadcast_in_dim3A_135 : f32 to vector<16xf32>
      %swap3A_137 = arith.constant 0 : i32
      %swap3A_138 = arith.index_cast %add3A_72 : i32 to index
      %swap3A_139 = arith.index_cast %swap3A_137 : i32 to index
      %swap3A_140 = arith.constant 48 : index
      %swap3A_141 = tpu.vector_load %arg9[%swap3A_138, %swap3A_139, %swap3A_140] {strides = array<i32>} : memref<80x2x128xf32, #tpu.memory_space<vmem>>, vector<1x1x16xf32>,
      %swap3A_142 = vector.shape_cast %swap3A_141 : vector<1x1x16xf32> to vector<16xf32>
      %swap3A_143 = vector.shape_cast %broadcast_in_dim3A_136 : vector<16xf32> to vector<1x1x16xf32>
      tpu.vector_store %arg9[%swap3A_138, %swap3A_139, %swap3A_140], %swap3A_143 {strides = array<i32>} : memref<80x2x128xf32, #tpu.memory_space<vmem>>, vector<1x1x16xf32>,
      %broadcast_in_dim3A_144 = arith.constant 0.000000e+00 : f32
      %broadcast_in_dim3A_145 = vector.broadcast %broadcast_in_dim3A_144 : f32 to vector<16xf32>
      %swap3A_146 = arith.constant 0 : i32
      %swap3A_147 = arith.index_cast %add3A_72 : i32 to index
      %swap3A_148 = arith.index_cast %swap3A_146 : i32 to index
      %swap3A_149 = arith.constant 64 : index
      %swap3A_150 = tpu.vector_load %arg7[%swap3A_147, %swap3A_148, %swap3A_149] {strides = array<i32>} : memref<80x2x128xf32, #tpu.memory_space<vmem>>, vector<1x1x16xf32>,
      %swap3A_151 = vector.shape_cast %swap3A_150 : vector<1x1x16xf32> to vector<16xf32>
      %swap3A_152 = vector.shape_cast %broadcast_in_dim3A_145 : vector<16xf32> to vector<1x1x16xf32>
      tpu.vector_store %arg7[%swap3A_147, %swap3A_148, %swap3A_149], %swap3A_152 {strides = array<i32>} : memref<80x2x128xf32, #tpu.memory_space<vmem>>, vector<1x1x16xf32>,
      %broadcast_in_dim3A_153 = arith.constant 0.000000e+00 : f32
      %broadcast_in_dim3A_154 = vector.broadcast %broadcast_in_dim3A_153 : f32 to vector<16xf32>
      %swap3A_155 = arith.constant 0 : i32
      %swap3A_156 = arith.index_cast %add3A_72 : i32 to index
      %swap3A_157 = arith.index_cast %swap3A_155 : i32 to index
      %swap3A_158 = arith.constant 64 : index
      %swap3A_159 = tpu.vector_load %arg9[%swap3A_156, %swap3A_157, %swap3A_158] {strides = array<i32>} : memref<80x2x128xf32, #tpu.memory_space<vmem>>, vector<1x1x16xf32>,
      %swap3A_160 = vector.shape_cast %swap3A_159 : vector<1x1x16xf32> to vector<16xf32>
      %swap3A_161 = vector.shape_cast %broadcast_in_dim3A_154 : vector<16xf32> to vector<1x1x16xf32>
      tpu.vector_store %arg9[%swap3A_156, %swap3A_157, %swap3A_158], %swap3A_161 {strides = array<i32>} : memref<80x2x128xf32, #tpu.memory_space<vmem>>, vector<1x1x16xf32>,
      %broadcast_in_dim3A_162 = arith.constant 0.000000e+00 : f32
      %broadcast_in_dim3A_163 = vector.broadcast %broadcast_in_dim3A_162 : f32 to vector<16xf32>
      %swap3A_164 = arith.constant 0 : i32
      %swap3A_165 = arith.index_cast %add3A_72 : i32 to index
      %swap3A_166 = arith.index_cast %swap3A_164 : i32 to index
      %swap3A_167 = arith.constant 80 : index
      %swap3A_168 = tpu.vector_load %arg7[%swap3A_165, %swap3A_166, %swap3A_167] {strides = array<i32>} : memref<80x2x128xf32, #tpu.memory_space<vmem>>, vector<1x1x16xf32>,
      %swap3A_169 = vector.shape_cast %swap3A_168 : vector<1x1x16xf32> to vector<16xf32>
      %swap3A_170 = vector.shape_cast %broadcast_in_dim3A_163 : vector<16xf32> to vector<1x1x16xf32>
      tpu.vector_store %arg7[%swap3A_165, %swap3A_166, %swap3A_167], %swap3A_170 {strides = array<i32>} : memref<80x2x128xf32, #tpu.memory_space<vmem>>, vector<1x1x16xf32>,
      %broadcast_in_dim3A_171 = arith.constant 0.000000e+00 : f32
      %broadcast_in_dim3A_172 = vector.broadcast %broadcast_in_dim3A_171 : f32 to vector<16xf32>
      %swap3A_173 = arith.constant 0 : i32
      %swap3A_174 = arith.index_cast %add3A_72 : i32 to index
      %swap3A_175 = arith.index_cast %swap3A_173 : i32 to index
      %swap3A_176 = arith.constant 80 : index
      %swap3A_177 = tpu.vector_load %arg9[%swap3A_174, %swap3A_175, %swap3A_176] {strides = array<i32>} : memref<80x2x128xf32, #tpu.memory_space<vmem>>, vector<1x1x16xf32>,
      %swap3A_178 = vector.shape_cast %swap3A_177 : vector<1x1x16xf32> to vector<16xf32>
      %swap3A_179 = vector.shape_cast %broadcast_in_dim3A_172 : vector<16xf32> to vector<1x1x16xf32>
      tpu.vector_store %arg9[%swap3A_174, %swap3A_175, %swap3A_176], %swap3A_179 {strides = array<i32>} : memref<80x2x128xf32, #tpu.memory_space<vmem>>, vector<1x1x16xf32>,
      %broadcast_in_dim3A_180 = arith.constant 0.000000e+00 : f32
      %broadcast_in_dim3A_181 = vector.broadcast %broadcast_in_dim3A_180 : f32 to vector<16xf32>
      %swap3A_182 = arith.constant 0 : i32
      %swap3A_183 = arith.index_cast %add3A_72 : i32 to index
      %swap3A_184 = arith.index_cast %swap3A_182 : i32 to index
      %swap3A_185 = arith.constant 96 : index
      %swap3A_186 = tpu.vector_load %arg7[%swap3A_183, %swap3A_184, %swap3A_185] {strides = array<i32>} : memref<80x2x128xf32, #tpu.memory_space<vmem>>, vector<1x1x16xf32>,
      %swap3A_187 = vector.shape_cast %swap3A_186 : vector<1x1x16xf32> to vector<16xf32>
      %swap3A_188 = vector.shape_cast %broadcast_in_dim3A_181 : vector<16xf32> to vector<1x1x16xf32>
      tpu.vector_store %arg7[%swap3A_183, %swap3A_184, %swap3A_185], %swap3A_188 {strides = array<i32>} : memref<80x2x128xf32, #tpu.memory_space<vmem>>, vector<1x1x16xf32>,
      %broadcast_in_dim3A_189 = arith.constant 0.000000e+00 : f32
      %broadcast_in_dim3A_190 = vector.broadcast %broadcast_in_dim3A_189 : f32 to vector<16xf32>
      %swap3A_191 = arith.constant 0 : i32
      %swap3A_192 = arith.index_cast %add3A_72 : i32 to index
      %swap3A_193 = arith.index_cast %swap3A_191 : i32 to index
      %swap3A_194 = arith.constant 96 : index
      %swap3A_195 = tpu.vector_load %arg9[%swap3A_192, %swap3A_193, %swap3A_194] {strides = array<i32>} : memref<80x2x128xf32, #tpu.memory_space<vmem>>, vector<1x1x16xf32>,
      %swap3A_196 = vector.shape_cast %swap3A_195 : vector<1x1x16xf32> to vector<16xf32>
      %swap3A_197 = vector.shape_cast %broadcast_in_dim3A_190 : vector<16xf32> to vector<1x1x16xf32>
      tpu.vector_store %arg9[%swap3A_192, %swap3A_193, %swap3A_194], %swap3A_197 {strides = array<i32>} : memref<80x2x128xf32, #tpu.memory_space<vmem>>, vector<1x1x16xf32>,
      %broadcast_in_dim3A_198 = arith.constant 0.000000e+00 : f32
      %broadcast_in_dim3A_199 = vector.broadcast %broadcast_in_dim3A_198 : f32 to vector<16xf32>
      %swap3A_200 = arith.constant 0 : i32
      %swap3A_201 = arith.index_cast %add3A_72 : i32 to index
      %swap3A_202 = arith.index_cast %swap3A_200 : i32 to index
      %swap3A_203 = arith.constant 112 : index
      %swap3A_204 = tpu.vector_load %arg7[%swap3A_201, %swap3A_202, %swap3A_203] {strides = array<i32>} : memref<80x2x128xf32, #tpu.memory_space<vmem>>, vector<1x1x16xf32>,
      %swap3A_205 = vector.shape_cast %swap3A_204 : vector<1x1x16xf32> to vector<16xf32>
      %swap3A_206 = vector.shape_cast %broadcast_in_dim3A_199 : vector<16xf32> to vector<1x1x16xf32>
      tpu.vector_store %arg7[%swap3A_201, %swap3A_202, %swap3A_203], %swap3A_206 {strides = array<i32>} : memref<80x2x128xf32, #tpu.memory_space<vmem>>, vector<1x1x16xf32>,
      %broadcast_in_dim3A_207 = arith.constant 0.000000e+00 : f32
      %broadcast_in_dim3A_208 = vector.broadcast %broadcast_in_dim3A_207 : f32 to vector<16xf32>
      %swap3A_209 = arith.constant 0 : i32
      %swap3A_210 = arith.index_cast %add3A_72 : i32 to index
      %swap3A_211 = arith.index_cast %swap3A_209 : i32 to index
      %swap3A_212 = arith.constant 112 : index
      %swap3A_213 = tpu.vector_load %arg9[%swap3A_210, %swap3A_211, %swap3A_212] {strides = array<i32>} : memref<80x2x128xf32, #tpu.memory_space<vmem>>, vector<1x1x16xf32>,
      %swap3A_214 = vector.shape_cast %swap3A_213 : vector<1x1x16xf32> to vector<16xf32>
      %swap3A_215 = vector.shape_cast %broadcast_in_dim3A_208 : vector<16xf32> to vector<1x1x16xf32>
      tpu.vector_store %arg9[%swap3A_210, %swap3A_211, %swap3A_212], %swap3A_215 {strides = array<i32>} : memref<80x2x128xf32, #tpu.memory_space<vmem>>, vector<1x1x16xf32>,
      %broadcast_in_dim3A_216 = arith.constant 0.000000e+00 : f32
      %broadcast_in_dim3A_217 = vector.broadcast %broadcast_in_dim3A_216 : f32 to vector<16xf32>
      %swap3A_218 = arith.constant 1 : i32
      %swap3A_219 = arith.index_cast %add3A_72 : i32 to index
      %swap3A_220 = arith.index_cast %swap3A_218 : i32 to index
      %swap3A_221 = arith.constant 0 : index
      %swap3A_222 = tpu.vector_load %arg7[%swap3A_219, %swap3A_220, %swap3A_221] {strides = array<i32>} : memref<80x2x128xf32, #tpu.memory_space<vmem>>, vector<1x1x16xf32>,
      %swap3A_223 = vector.shape_cast %swap3A_222 : vector<1x1x16xf32> to vector<16xf32>
      %swap3A_224 = vector.shape_cast %broadcast_in_dim3A_217 : vector<16xf32> to vector<1x1x16xf32>
      tpu.vector_store %arg7[%swap3A_219, %swap3A_220, %swap3A_221], %swap3A_224 {strides = array<i32>} : memref<80x2x128xf32, #tpu.memory_space<vmem>>, vector<1x1x16xf32>,
      %broadcast_in_dim3A_225 = arith.constant 0.000000e+00 : f32
      %broadcast_in_dim3A_226 = vector.broadcast %broadcast_in_dim3A_225 : f32 to vector<16xf32>
      %swap3A_227 = arith.constant 1 : i32
      %swap3A_228 = arith.index_cast %add3A_72 : i32 to index
      %swap3A_229 = arith.index_cast %swap3A_227 : i32 to index
      %swap3A_230 = arith.constant 0 : index
      %swap3A_231 = tpu.vector_load %arg9[%swap3A_228, %swap3A_229, %swap3A_230] {strides = array<i32>} : memref<80x2x128xf32, #tpu.memory_space<vmem>>, vector<1x1x16xf32>,
      %swap3A_232 = vector.shape_cast %swap3A_231 : vector<1x1x16xf32> to vector<16xf32>
      %swap3A_233 = vector.shape_cast %broadcast_in_dim3A_226 : vector<16xf32> to vector<1x1x16xf32>
      tpu.vector_store %arg9[%swap3A_228, %swap3A_229, %swap3A_230], %swap3A_233 {strides = array<i32>} : memref<80x2x128xf32, #tpu.memory_space<vmem>>, vector<1x1x16xf32>,
      %broadcast_in_dim3A_234 = arith.constant 0.000000e+00 : f32
      %broadcast_in_dim3A_235 = vector.broadcast %broadcast_in_dim3A_234 : f32 to vector<16xf32>
      %swap3A_236 = arith.constant 1 : i32
      %swap3A_237 = arith.index_cast %add3A_72 : i32 to index
      %swap3A_238 = arith.index_cast %swap3A_236 : i32 to index
      %swap3A_239 = arith.constant 16 : index
      %swap3A_240 = tpu.vector_load %arg7[%swap3A_237, %swap3A_238, %swap3A_239] {strides = array<i32>} : memref<80x2x128xf32, #tpu.memory_space<vmem>>, vector<1x1x16xf32>,
      %swap3A_241 = vector.shape_cast %swap3A_240 : vector<1x1x16xf32> to vector<16xf32>
      %swap3A_242 = vector.shape_cast %broadcast_in_dim3A_235 : vector<16xf32> to vector<1x1x16xf32>
      tpu.vector_store %arg7[%swap3A_237, %swap3A_238, %swap3A_239], %swap3A_242 {strides = array<i32>} : memref<80x2x128xf32, #tpu.memory_space<vmem>>, vector<1x1x16xf32>,
      %broadcast_in_dim3A_243 = arith.constant 0.000000e+00 : f32
      %broadcast_in_dim3A_244 = vector.broadcast %broadcast_in_dim3A_243 : f32 to vector<16xf32>
      %swap3A_245 = arith.constant 1 : i32
      %swap3A_246 = arith.index_cast %add3A_72 : i32 to index
      %swap3A_247 = arith.index_cast %swap3A_245 : i32 to index
      %swap3A_248 = arith.constant 16 : index
      %swap3A_249 = tpu.vector_load %arg9[%swap3A_246, %swap3A_247, %swap3A_248] {strides = array<i32>} : memref<80x2x128xf32, #tpu.memory_space<vmem>>, vector<1x1x16xf32>,
      %swap3A_250 = vector.shape_cast %swap3A_249 : vector<1x1x16xf32> to vector<16xf32>
      %swap3A_251 = vector.shape_cast %broadcast_in_dim3A_244 : vector<16xf32> to vector<1x1x16xf32>
      tpu.vector_store %arg9[%swap3A_246, %swap3A_247, %swap3A_248], %swap3A_251 {strides = array<i32>} : memref<80x2x128xf32, #tpu.memory_space<vmem>>, vector<1x1x16xf32>,
      %broadcast_in_dim3A_252 = arith.constant 0.000000e+00 : f32
      %broadcast_in_dim3A_253 = vector.broadcast %broadcast_in_dim3A_252 : f32 to vector<16xf32>
      %swap3A_254 = arith.constant 1 : i32
      %swap3A_255 = arith.index_cast %add3A_72 : i32 to index
      %swap3A_256 = arith.index_cast %swap3A_254 : i32 to index
      %swap3A_257 = arith.constant 32 : index
      %swap3A_258 = tpu.vector_load %arg7[%swap3A_255, %swap3A_256, %swap3A_257] {strides = array<i32>} : memref<80x2x128xf32, #tpu.memory_space<vmem>>, vector<1x1x16xf32>,
      %swap3A_259 = vector.shape_cast %swap3A_258 : vector<1x1x16xf32> to vector<16xf32>
      %swap3A_260 = vector.shape_cast %broadcast_in_dim3A_253 : vector<16xf32> to vector<1x1x16xf32>
      tpu.vector_store %arg7[%swap3A_255, %swap3A_256, %swap3A_257], %swap3A_260 {strides = array<i32>} : memref<80x2x128xf32, #tpu.memory_space<vmem>>, vector<1x1x16xf32>,
      %broadcast_in_dim3A_261 = arith.constant 0.000000e+00 : f32
      %broadcast_in_dim3A_262 = vector.broadcast %broadcast_in_dim3A_261 : f32 to vector<16xf32>
      %swap3A_263 = arith.constant 1 : i32
      %swap3A_264 = arith.index_cast %add3A_72 : i32 to index
      %swap3A_265 = arith.index_cast %swap3A_263 : i32 to index
      %swap3A_266 = arith.constant 32 : index
      %swap3A_267 = tpu.vector_load %arg9[%swap3A_264, %swap3A_265, %swap3A_266] {strides = array<i32>} : memref<80x2x128xf32, #tpu.memory_space<vmem>>, vector<1x1x16xf32>,
      %swap3A_268 = vector.shape_cast %swap3A_267 : vector<1x1x16xf32> to vector<16xf32>
      %swap3A_269 = vector.shape_cast %broadcast_in_dim3A_262 : vector<16xf32> to vector<1x1x16xf32>
      tpu.vector_store %arg9[%swap3A_264, %swap3A_265, %swap3A_266], %swap3A_269 {strides = array<i32>} : memref<80x2x128xf32, #tpu.memory_space<vmem>>, vector<1x1x16xf32>,
      %broadcast_in_dim3A_270 = arith.constant 0.000000e+00 : f32
      %broadcast_in_dim3A_271 = vector.broadcast %broadcast_in_dim3A_270 : f32 to vector<16xf32>
      %swap3A_272 = arith.constant 1 : i32
      %swap3A_273 = arith.index_cast %add3A_72 : i32 to index
      %swap3A_274 = arith.index_cast %swap3A_272 : i32 to index
      %swap3A_275 = arith.constant 48 : index
      %swap3A_276 = tpu.vector_load %arg7[%swap3A_273, %swap3A_274, %swap3A_275] {strides = array<i32>} : memref<80x2x128xf32, #tpu.memory_space<vmem>>, vector<1x1x16xf32>,
      %swap3A_277 = vector.shape_cast %swap3A_276 : vector<1x1x16xf32> to vector<16xf32>
      %swap3A_278 = vector.shape_cast %broadcast_in_dim3A_271 : vector<16xf32> to vector<1x1x16xf32>
      tpu.vector_store %arg7[%swap3A_273, %swap3A_274, %swap3A_275], %swap3A_278 {strides = array<i32>} : memref<80x2x128xf32, #tpu.memory_space<vmem>>, vector<1x1x16xf32>,
      %broadcast_in_dim3A_279 = arith.constant 0.000000e+00 : f32
      %broadcast_in_dim3A_280 = vector.broadcast %broadcast_in_dim3A_279 : f32 to vector<16xf32>
      %swap3A_281 = arith.constant 1 : i32
      %swap3A_282 = arith.index_cast %add3A_72 : i32 to index
      %swap3A_283 = arith.index_cast %swap3A_281 : i32 to index
      %swap3A_284 = arith.constant 48 : index
      %swap3A_285 = tpu.vector_load %arg9[%swap3A_282, %swap3A_283, %swap3A_284] {strides = array<i32>} : memref<80x2x128xf32, #tpu.memory_space<vmem>>, vector<1x1x16xf32>,
      %swap3A_286 = vector.shape_cast %swap3A_285 : vector<1x1x16xf32> to vector<16xf32>
      %swap3A_287 = vector.shape_cast %broadcast_in_dim3A_280 : vector<16xf32> to vector<1x1x16xf32>
      tpu.vector_store %arg9[%swap3A_282, %swap3A_283, %swap3A_284], %swap3A_287 {strides = array<i32>} : memref<80x2x128xf32, #tpu.memory_space<vmem>>, vector<1x1x16xf32>,
      %broadcast_in_dim3A_288 = arith.constant 0.000000e+00 : f32
      %broadcast_in_dim3A_289 = vector.broadcast %broadcast_in_dim3A_288 : f32 to vector<16xf32>
      %swap3A_290 = arith.constant 1 : i32
      %swap3A_291 = arith.index_cast %add3A_72 : i32 to index
      %swap3A_292 = arith.index_cast %swap3A_290 : i32 to index
      %swap3A_293 = arith.constant 64 : index
      %swap3A_294 = tpu.vector_load %arg7[%swap3A_291, %swap3A_292, %swap3A_293] {strides = array<i32>} : memref<80x2x128xf32, #tpu.memory_space<vmem>>, vector<1x1x16xf32>,
      %swap3A_295 = vector.shape_cast %swap3A_294 : vector<1x1x16xf32> to vector<16xf32>
      %swap3A_296 = vector.shape_cast %broadcast_in_dim3A_289 : vector<16xf32> to vector<1x1x16xf32>
      tpu.vector_store %arg7[%swap3A_291, %swap3A_292, %swap3A_293], %swap3A_296 {strides = array<i32>} : memref<80x2x128xf32, #tpu.memory_space<vmem>>, vector<1x1x16xf32>,
      %broadcast_in_dim3A_297 = arith.constant 0.000000e+00 : f32
      %broadcast_in_dim3A_298 = vector.broadcast %broadcast_in_dim3A_297 : f32 to vector<16xf32>
      %swap3A_299 = arith.constant 1 : i32
      %swap3A_300 = arith.index_cast %add3A_72 : i32 to index
      %swap3A_301 = arith.index_cast %swap3A_299 : i32 to index
      %swap3A_302 = arith.constant 64 : index
      %swap3A_303 = tpu.vector_load %arg9[%swap3A_300, %swap3A_301, %swap3A_302] {strides = array<i32>} : memref<80x2x128xf32, #tpu.memory_space<vmem>>, vector<1x1x16xf32>,
      %swap3A_304 = vector.shape_cast %swap3A_303 : vector<1x1x16xf32> to vector<16xf32>
      %swap3A_305 = vector.shape_cast %broadcast_in_dim3A_298 : vector<16xf32> to vector<1x1x16xf32>
      tpu.vector_store %arg9[%swap3A_300, %swap3A_301, %swap3A_302], %swap3A_305 {strides = array<i32>} : memref<80x2x128xf32, #tpu.memory_space<vmem>>, vector<1x1x16xf32>,
      %broadcast_in_dim3A_306 = arith.constant 0.000000e+00 : f32
      %broadcast_in_dim3A_307 = vector.broadcast %broadcast_in_dim3A_306 : f32 to vector<16xf32>
      %swap3A_308 = arith.constant 1 : i32
      %swap3A_309 = arith.index_cast %add3A_72 : i32 to index
      %swap3A_310 = arith.index_cast %swap3A_308 : i32 to index
      %swap3A_311 = arith.constant 80 : index
      %swap3A_312 = tpu.vector_load %arg7[%swap3A_309, %swap3A_310, %swap3A_311] {strides = array<i32>} : memref<80x2x128xf32, #tpu.memory_space<vmem>>, vector<1x1x16xf32>,
      %swap3A_313 = vector.shape_cast %swap3A_312 : vector<1x1x16xf32> to vector<16xf32>
      %swap3A_314 = vector.shape_cast %broadcast_in_dim3A_307 : vector<16xf32> to vector<1x1x16xf32>
      tpu.vector_store %arg7[%swap3A_309, %swap3A_310, %swap3A_311], %swap3A_314 {strides = array<i32>} : memref<80x2x128xf32, #tpu.memory_space<vmem>>, vector<1x1x16xf32>,
      %broadcast_in_dim3A_315 = arith.constant 0.000000e+00 : f32
      %broadcast_in_dim3A_316 = vector.broadcast %broadcast_in_dim3A_315 : f32 to vector<16xf32>
      %swap3A_317 = arith.constant 1 : i32
      %swap3A_318 = arith.index_cast %add3A_72 : i32 to index
      %swap3A_319 = arith.index_cast %swap3A_317 : i32 to index
      %swap3A_320 = arith.constant 80 : index
      %swap3A_321 = tpu.vector_load %arg9[%swap3A_318, %swap3A_319, %swap3A_320] {strides = array<i32>} : memref<80x2x128xf32, #tpu.memory_space<vmem>>, vector<1x1x16xf32>,
      %swap3A_322 = vector.shape_cast %swap3A_321 : vector<1x1x16xf32> to vector<16xf32>
      %swap3A_323 = vector.shape_cast %broadcast_in_dim3A_316 : vector<16xf32> to vector<1x1x16xf32>
      tpu.vector_store %arg9[%swap3A_318, %swap3A_319, %swap3A_320], %swap3A_323 {strides = array<i32>} : memref<80x2x128xf32, #tpu.memory_space<vmem>>, vector<1x1x16xf32>,
      %broadcast_in_dim3A_324 = arith.constant 0.000000e+00 : f32
      %broadcast_in_dim3A_325 = vector.broadcast %broadcast_in_dim3A_324 : f32 to vector<16xf32>
      %swap3A_326 = arith.constant 1 : i32
      %swap3A_327 = arith.index_cast %add3A_72 : i32 to index
      %swap3A_328 = arith.index_cast %swap3A_326 : i32 to index
      %swap3A_329 = arith.constant 96 : index
      %swap3A_330 = tpu.vector_load %arg7[%swap3A_327, %swap3A_328, %swap3A_329] {strides = array<i32>} : memref<80x2x128xf32, #tpu.memory_space<vmem>>, vector<1x1x16xf32>,
      %swap3A_331 = vector.shape_cast %swap3A_330 : vector<1x1x16xf32> to vector<16xf32>
      %swap3A_332 = vector.shape_cast %broadcast_in_dim3A_325 : vector<16xf32> to vector<1x1x16xf32>
      tpu.vector_store %arg7[%swap3A_327, %swap3A_328, %swap3A_329], %swap3A_332 {strides = array<i32>} : memref<80x2x128xf32, #tpu.memory_space<vmem>>, vector<1x1x16xf32>,
      %broadcast_in_dim3A_333 = arith.constant 0.000000e+00 : f32
      %broadcast_in_dim3A_334 = vector.broadcast %broadcast_in_dim3A_333 : f32 to vector<16xf32>
      %swap3A_335 = arith.constant 1 : i32
      %swap3A_336 = arith.index_cast %add3A_72 : i32 to index
      %swap3A_337 = arith.index_cast %swap3A_335 : i32 to index
      %swap3A_338 = arith.constant 96 : index
      %swap3A_339 = tpu.vector_load %arg9[%swap3A_336, %swap3A_337, %swap3A_338] {strides = array<i32>} : memref<80x2x128xf32, #tpu.memory_space<vmem>>, vector<1x1x16xf32>,
      %swap3A_340 = vector.shape_cast %swap3A_339 : vector<1x1x16xf32> to vector<16xf32>
      %swap3A_341 = vector.shape_cast %broadcast_in_dim3A_334 : vector<16xf32> to vector<1x1x16xf32>
      tpu.vector_store %arg9[%swap3A_336, %swap3A_337, %swap3A_338], %swap3A_341 {strides = array<i32>} : memref<80x2x128xf32, #tpu.memory_space<vmem>>, vector<1x1x16xf32>,
      %broadcast_in_dim3A_342 = arith.constant 0.000000e+00 : f32
      %broadcast_in_dim3A_343 = vector.broadcast %broadcast_in_dim3A_342 : f32 to vector<16xf32>
      %swap3A_344 = arith.constant 1 : i32
      %swap3A_345 = arith.index_cast %add3A_72 : i32 to index
      %swap3A_346 = arith.index_cast %swap3A_344 : i32 to index
      %swap3A_347 = arith.constant 112 : index
      %swap3A_348 = tpu.vector_load %arg7[%swap3A_345, %swap3A_346, %swap3A_347] {strides = array<i32>} : memref<80x2x128xf32, #tpu.memory_space<vmem>>, vector<1x1x16xf32>,
      %swap3A_349 = vector.shape_cast %swap3A_348 : vector<1x1x16xf32> to vector<16xf32>
      %swap3A_350 = vector.shape_cast %broadcast_in_dim3A_343 : vector<16xf32> to vector<1x1x16xf32>
      tpu.vector_store %arg7[%swap3A_345, %swap3A_346, %swap3A_347], %swap3A_350 {strides = array<i32>} : memref<80x2x128xf32, #tpu.memory_space<vmem>>, vector<1x1x16xf32>,
      %broadcast_in_dim3A_351 = arith.constant 0.000000e+00 : f32
      %broadcast_in_dim3A_352 = vector.broadcast %broadcast_in_dim3A_351 : f32 to vector<16xf32>
      %swap3A_353 = arith.constant 1 : i32
      %swap3A_354 = arith.index_cast %add3A_72 : i32 to index
      %swap3A_355 = arith.index_cast %swap3A_353 : i32 to index
      %swap3A_356 = arith.constant 112 : index
      %swap3A_357 = tpu.vector_load %arg9[%swap3A_354, %swap3A_355, %swap3A_356] {strides = array<i32>} : memref<80x2x128xf32, #tpu.memory_space<vmem>>, vector<1x1x16xf32>,
      %swap3A_358 = vector.shape_cast %swap3A_357 : vector<1x1x16xf32> to vector<16xf32>
      %swap3A_359 = vector.shape_cast %broadcast_in_dim3A_352 : vector<16xf32> to vector<1x1x16xf32>
      tpu.vector_store %arg9[%swap3A_354, %swap3A_355, %swap3A_356], %swap3A_359 {strides = array<i32>} : memref<80x2x128xf32, #tpu.memory_space<vmem>>, vector<1x1x16xf32>,
    }
    %scan3A_8 = arith.constant 80 : i32
    %scan3A_9 = arith.constant 0 : i32
    %scan3A_10 = arith.constant 4 : i32
    %scan3A_11 = arith.addi %scan3A_9, %scan3A_10 : i32
    %scan3A_12 = arith.constant 1 : i32
    scf.for %scan3A_68 = %scan3A_9 to %scan3A_11 step %scan3A_12  : i32 {
      %mul3A_69 = arith.constant 1 : i32
      %mul3A_70 = arith.muli %scan3A_68, %mul3A_69 : i32
      %add3A_71 = arith.constant 0 : i32
      %add3A_72 = arith.addi %add3A_71, %mul3A_70 : i32
      %mul3A_73 = arith.constant 80 : i32
      %mul3A_74 = arith.muli %add3A_72, %mul3A_73 : i32
      %add3A_75 = arith.addi %mul3A_2, %mul3A_74 : i32
      "tpu.region"() ({
        %run_scoped3A = tpu.sem_alloc : memref<!tpu.dma_semaphore, #tpu.memory_space<semaphore_mem>>
        %dma_start3A_76 = arith.constant 0 : i32
        %dma_start3A_77 = arith.constant 0 : i32
        %dma_start3A_78 = tpu.memref_slice %arg5[%add3A_75, %dma_start3A_76, %dma_start3A_77] : memref<5128x2x128xf32, #tpu.memory_space<vmem_shared>> -> memref<80x2x128xf32, #tpu.memory_space<vmem_shared>>
        %dma_start3A_79 = arith.constant 0 : i32
        %dma_start3A_80 = arith.constant 0 : i32
        %dma_start3A_81 = tpu.memref_slice %arg5[%add3A_75, %dma_start3A_79, %dma_start3A_80] : memref<5128x2x128xf32, #tpu.memory_space<vmem_shared>> -> memref<80x2x128xf32, #tpu.memory_space<vmem_shared>>
        tpu.enqueue_dma source(%arg7 : memref<80x2x128xf32, #tpu.memory_space<vmem>>) target(%dma_start3A_81 : memref<80x2x128xf32, #tpu.memory_space<vmem_shared>>) target_semaphore(%run_scoped3A : memref<!tpu.dma_semaphore, #tpu.memory_space<semaphore_mem>>)
        %dma_wait3A = arith.constant 0 : i32
        %dma_wait3A_82 = arith.constant 0 : i32
        %dma_wait3A_83 = tpu.memref_slice %arg5[%add3A_75, %dma_wait3A, %dma_wait3A_82] : memref<5128x2x128xf32, #tpu.memory_space<vmem_shared>> -> memref<80x2x128xf32, #tpu.memory_space<vmem_shared>>
        %dma_wait3A_84 = arith.constant 0 : i32
        %dma_wait3A_85 = arith.constant 0 : i32
        %dma_wait3A_86 = tpu.memref_slice %arg5[%add3A_75, %dma_wait3A_84, %dma_wait3A_85] : memref<5128x2x128xf32, #tpu.memory_space<vmem_shared>> -> memref<80x2x128xf32, #tpu.memory_space<vmem_shared>>
        tpu.wait_dma2 semaphore(%run_scoped3A : memref<!tpu.dma_semaphore, #tpu.memory_space<semaphore_mem>>) src(%arg7 : memref<80x2x128xf32, #tpu.memory_space<vmem>>) dst(%dma_wait3A_86 : memref<80x2x128xf32, #tpu.memory_space<vmem_shared>>)
        tpu.yield
      }) : () -> ()
    }
    %scan3A_13 = arith.constant 4 : i32
    %eq3A = arith.constant 0 : i32
    %eq3A_14 = arith.cmpi eq, %arg1, %eq3A : i32
    %convert_element_type3A = arith.extui %eq3A_14 : i1 to i32
    %cond3A = arith.constant 0 : i32
    %cond3A_15 = arith.cmpi ne, %convert_element_type3A, %cond3A : i32
    scf.if %cond3A_15 {
      "tpu.region"() ({
        %run_scoped3A = tpu.sem_alloc : memref<!tpu.dma_semaphore, #tpu.memory_space<semaphore_mem>>
        %dma_start3A_68 = arith.constant 0 : i32
        %dma_start3A_69 = arith.constant 0 : i32
        %dma_start3A_70 = arith.constant 0 : i32
        %dma_start3A_71 = tpu.memref_slice %arg7[%dma_start3A_68, %dma_start3A_69, %dma_start3A_70] : memref<80x2x128xf32, #tpu.memory_space<vmem>> -> memref<8x2x128xf32, #tpu.memory_space<vmem>>
        %dma_start3A_72 = arith.constant 5120 : i32
        %dma_start3A_73 = arith.constant 0 : i32
        %dma_start3A_74 = arith.constant 0 : i32
        %dma_start3A_75 = tpu.memref_slice %arg5[%dma_start3A_72, %dma_start3A_73, %dma_start3A_74] : memref<5128x2x128xf32, #tpu.memory_space<vmem_shared>> -> memref<8x2x128xf32, #tpu.memory_space<vmem_shared>>
        %dma_start3A_76 = arith.constant 5120 : i32
        %dma_start3A_77 = arith.constant 0 : i32
        %dma_start3A_78 = arith.constant 0 : i32
        %dma_start3A_79 = tpu.memref_slice %arg5[%dma_start3A_76, %dma_start3A_77, %dma_start3A_78] : memref<5128x2x128xf32, #tpu.memory_space<vmem_shared>> -> memref<8x2x128xf32, #tpu.memory_space<vmem_shared>>
        %dma_start3A_80 = arith.constant 0 : i32
        %dma_start3A_81 = arith.constant 0 : i32
        %dma_start3A_82 = arith.constant 0 : i32
        %dma_start3A_83 = tpu.memref_slice %arg7[%dma_start3A_80, %dma_start3A_81, %dma_start3A_82] : memref<80x2x128xf32, #tpu.memory_space<vmem>> -> memref<8x2x128xf32, #tpu.memory_space<vmem>>
        tpu.enqueue_dma source(%dma_start3A_83 : memref<8x2x128xf32, #tpu.memory_space<vmem>>) target(%dma_start3A_79 : memref<8x2x128xf32, #tpu.memory_space<vmem_shared>>) target_semaphore(%run_scoped3A : memref<!tpu.dma_semaphore, #tpu.memory_space<semaphore_mem>>)
        %dma_wait3A = arith.constant 0 : i32
        %dma_wait3A_84 = arith.constant 0 : i32
        %dma_wait3A_85 = arith.constant 0 : i32
        %dma_wait3A_86 = tpu.memref_slice %arg7[%dma_wait3A, %dma_wait3A_84, %dma_wait3A_85] : memref<80x2x128xf32, #tpu.memory_space<vmem>> -> memref<8x2x128xf32, #tpu.memory_space<vmem>>
        %dma_wait3A_87 = arith.constant 5120 : i32
        %dma_wait3A_88 = arith.constant 0 : i32
        %dma_wait3A_89 = arith.constant 0 : i32
        %dma_wait3A_90 = tpu.memref_slice %arg5[%dma_wait3A_87, %dma_wait3A_88, %dma_wait3A_89] : memref<5128x2x128xf32, #tpu.memory_space<vmem_shared>> -> memref<8x2x128xf32, #tpu.memory_space<vmem_shared>>
        %dma_wait3A_91 = arith.constant 5120 : i32
        %dma_wait3A_92 = arith.constant 0 : i32
        %dma_wait3A_93 = arith.constant 0 : i32
        %dma_wait3A_94 = tpu.memref_slice %arg5[%dma_wait3A_91, %dma_wait3A_92, %dma_wait3A_93] : memref<5128x2x128xf32, #tpu.memory_space<vmem_shared>> -> memref<8x2x128xf32, #tpu.memory_space<vmem_shared>>
        %dma_wait3A_95 = arith.constant 0 : i32
        %dma_wait3A_96 = arith.constant 0 : i32
        %dma_wait3A_97 = arith.constant 0 : i32
        %dma_wait3A_98 = tpu.memref_slice %arg7[%dma_wait3A_95, %dma_wait3A_96, %dma_wait3A_97] : memref<80x2x128xf32, #tpu.memory_space<vmem>> -> memref<8x2x128xf32, #tpu.memory_space<vmem>>
        tpu.wait_dma2 semaphore(%run_scoped3A : memref<!tpu.dma_semaphore, #tpu.memory_space<semaphore_mem>>) src(%dma_wait3A_98 : memref<8x2x128xf32, #tpu.memory_space<vmem>>) dst(%dma_wait3A_94 : memref<8x2x128xf32, #tpu.memory_space<vmem_shared>>)
        tpu.yield
      }) : () -> ()
    } else {
    }
    %iota3A = tpu.iota {dimensions = array<i32: 0>} : vector<16xi32>
    %eq3A_16 = arith.constant 0 : i32
    %eq3A_17 = vector.broadcast %eq3A_16 : i32 to vector<16xi32>
    %eq3A_18 = arith.cmpi eq, %iota3A, %eq3A_17 : vector<16xi32>
    %jit3A = arith.constant 1.000000e+00 : f32
    %jit3A_19 = arith.constant 0.000000e+00 : f32
    %broadcast_in_dim3A = vector.broadcast %jit3A : f32 to vector<16xf32>
    %broadcast_in_dim3A_20 = vector.broadcast %jit3A_19 : f32 to vector<16xf32>
    %select_n3A = arith.select %eq3A_18, %broadcast_in_dim3A, %broadcast_in_dim3A_20 : vector<16xi1>, vector<16xf32>
    %scan3A_21 = arith.constant 0 : i32
    %scan3A_22 = arith.constant 80 : i32
    %scan3A_23 = arith.addi %scan3A_21, %scan3A_22 : i32
    %scan3A_24 = arith.constant 1 : i32
    scf.for %scan3A_68 = %scan3A_21 to %scan3A_23 step %scan3A_24  : i32 {
      %mul3A_69 = arith.constant 1 : i32
      %mul3A_70 = arith.muli %scan3A_68, %mul3A_69 : i32
      %add3A_71 = arith.constant 0 : i32
      %add3A_72 = arith.addi %add3A_71, %mul3A_70 : i32
      %swap3A = arith.constant 1 : i32
      %swap3A_73 = arith.index_cast %add3A_72 : i32 to index
      %swap3A_74 = arith.index_cast %swap3A : i32 to index
      %swap3A_75 = arith.constant 0 : index
      %swap3A_76 = tpu.vector_load %arg7[%swap3A_73, %swap3A_74, %swap3A_75] {strides = array<i32>} : memref<80x2x128xf32, #tpu.memory_space<vmem>>, vector<1x1x16xf32>,
      %swap3A_77 = vector.shape_cast %swap3A_76 : vector<1x1x16xf32> to vector<16xf32>
      %swap3A_78 = vector.shape_cast %select_n3A : vector<16xf32> to vector<1x1x16xf32>
      tpu.vector_store %arg7[%swap3A_73, %swap3A_74, %swap3A_75], %swap3A_78 {strides = array<i32>} : memref<80x2x128xf32, #tpu.memory_space<vmem>>, vector<1x1x16xf32>,
      %swap3A_79 = arith.constant 1 : i32
      %swap3A_80 = arith.index_cast %add3A_72 : i32 to index
      %swap3A_81 = arith.index_cast %swap3A_79 : i32 to index
      %swap3A_82 = arith.constant 0 : index
      %swap3A_83 = tpu.vector_load %arg9[%swap3A_80, %swap3A_81, %swap3A_82] {strides = array<i32>} : memref<80x2x128xf32, #tpu.memory_space<vmem>>, vector<1x1x16xf32>,
      %swap3A_84 = vector.shape_cast %swap3A_83 : vector<1x1x16xf32> to vector<16xf32>
      %swap3A_85 = vector.shape_cast %select_n3A : vector<16xf32> to vector<1x1x16xf32>
      tpu.vector_store %arg9[%swap3A_80, %swap3A_81, %swap3A_82], %swap3A_85 {strides = array<i32>} : memref<80x2x128xf32, #tpu.memory_space<vmem>>, vector<1x1x16xf32>,
    }
    %scan3A_25 = arith.constant 80 : i32
    %barrier3A = arith.constant 0 : index
    tpu.barrier barrier_id(%barrier3A)
    %broadcast_in_dim3A_26 = vector.broadcast %mul3A_4 : i32 to vector<16xi32>
    %dma_start3A = tpu.memref_slice %arg3[%mul3A_0] : memref<320000xi32, #tpu.memory_space<hbm>> -> memref<80xi32, #tpu.memory_space<hbm>>
    %dma_start3A_27 = tpu.memref_slice %arg3[%mul3A_0] : memref<320000xi32, #tpu.memory_space<hbm>> -> memref<80xi32, #tpu.memory_space<hbm>>
    tpu.enqueue_dma source(%dma_start3A_27 : memref<80xi32, #tpu.memory_space<hbm>>) target(%arg6 : memref<80xi32, #tpu.memory_space<vmem>>) target_semaphore(%arg10 : memref<!tpu.dma_semaphore, #tpu.memory_space<semaphore_mem>>)
    %dma_start3A_28 = arith.constant 0 : i32
    %dma_start3A_29 = arith.constant 0 : i32
    %dma_start3A_30 = arith.constant 0 : i32
    %dma_start3A_31 = tpu.memref_slice %arg7[%dma_start3A_29, %dma_start3A_28, %dma_start3A_30] : memref<80x2x128xf32, #tpu.memory_space<vmem>> -> memref<80x1x128xf32, #tpu.memory_space<vmem>>
    %dma_start3A_32 = tpu.memref_squeeze %dma_start3A_31 : memref<80x1x128xf32, #tpu.memory_space<vmem>> -> memref<80x128xf32, #tpu.memory_space<vmem>>
    %dma_start3A_33 = arith.constant 0 : i32
    %dma_start3A_34 = tpu.memref_slice %arg2[%mul3A_0, %dma_start3A_33] : memref<320000x128xf32, #tpu.memory_space<hbm>> -> memref<80x128xf32, #tpu.memory_space<hbm>>
    %dma_start3A_35 = arith.constant 0 : i32
    %dma_start3A_36 = arith.constant 0 : i32
    %dma_start3A_37 = tpu.memref_slice %arg7[%dma_start3A_35, %dma_start3A_28, %dma_start3A_36] : memref<80x2x128xf32, #tpu.memory_space<vmem>> -> memref<80x1x128xf32, #tpu.memory_space<vmem>>
    %dma_start3A_38 = tpu.memref_squeeze %dma_start3A_37 : memref<80x1x128xf32, #tpu.memory_space<vmem>> -> memref<80x128xf32, #tpu.memory_space<vmem>>
    %dma_start3A_39 = arith.constant 0 : i32
    %dma_start3A_40 = tpu.memref_slice %arg2[%mul3A_0, %dma_start3A_39] : memref<320000x128xf32, #tpu.memory_space<hbm>> -> memref<80x128xf32, #tpu.memory_space<hbm>>
    tpu.enqueue_dma source(%dma_start3A_40 : memref<80x128xf32, #tpu.memory_space<hbm>>) target(%dma_start3A_38 : memref<80x128xf32, #tpu.memory_space<vmem>>) target_semaphore(%arg10 : memref<!tpu.dma_semaphore, #tpu.memory_space<semaphore_mem>>)
    %add3A = arith.constant 80 : i32
    %add3A_41 = arith.addi %mul3A_0, %add3A : i32
    %dma_start3A_42 = tpu.memref_slice %arg3[%add3A_41] : memref<320000xi32, #tpu.memory_space<hbm>> -> memref<80xi32, #tpu.memory_space<hbm>>
    %dma_start3A_43 = tpu.memref_slice %arg3[%add3A_41] : memref<320000xi32, #tpu.memory_space<hbm>> -> memref<80xi32, #tpu.memory_space<hbm>>
    tpu.enqueue_dma source(%dma_start3A_43 : memref<80xi32, #tpu.memory_space<hbm>>) target(%arg8 : memref<80xi32, #tpu.memory_space<vmem>>) target_semaphore(%arg11 : memref<!tpu.dma_semaphore, #tpu.memory_space<semaphore_mem>>)
    %dma_start3A_44 = arith.constant 0 : i32
    %dma_start3A_45 = arith.constant 0 : i32
    %dma_start3A_46 = arith.constant 0 : i32
    %dma_start3A_47 = tpu.memref_slice %arg9[%dma_start3A_45, %dma_start3A_44, %dma_start3A_46] : memref<80x2x128xf32, #tpu.memory_space<vmem>> -> memref<80x1x128xf32, #tpu.memory_space<vmem>>
    %dma_start3A_48 = tpu.memref_squeeze %dma_start3A_47 : memref<80x1x128xf32, #tpu.memory_space<vmem>> -> memref<80x128xf32, #tpu.memory_space<vmem>>
    %dma_start3A_49 = arith.constant 0 : i32
    %dma_start3A_50 = tpu.memref_slice %arg2[%add3A_41, %dma_start3A_49] : memref<320000x128xf32, #tpu.memory_space<hbm>> -> memref<80x128xf32, #tpu.memory_space<hbm>>
    %dma_start3A_51 = arith.constant 0 : i32
    %dma_start3A_52 = arith.constant 0 : i32
    %dma_start3A_53 = tpu.memref_slice %arg9[%dma_start3A_51, %dma_start3A_44, %dma_start3A_52] : memref<80x2x128xf32, #tpu.memory_space<vmem>> -> memref<80x1x128xf32, #tpu.memory_space<vmem>>
    %dma_start3A_54 = tpu.memref_squeeze %dma_start3A_53 : memref<80x1x128xf32, #tpu.memory_space<vmem>> -> memref<80x128xf32, #tpu.memory_space<vmem>>
    %dma_start3A_55 = arith.constant 0 : i32
    %dma_start3A_56 = tpu.memref_slice %arg2[%add3A_41, %dma_start3A_55] : memref<320000x128xf32, #tpu.memory_space<hbm>> -> memref<80x128xf32, #tpu.memory_space<hbm>>
    tpu.enqueue_dma source(%dma_start3A_56 : memref<80x128xf32, #tpu.memory_space<hbm>>) target(%dma_start3A_54 : memref<80x128xf32, #tpu.memory_space<vmem>>) target_semaphore(%arg11 : memref<!tpu.dma_semaphore, #tpu.memory_space<semaphore_mem>>)
    %scan3A_57 = arith.constant 0 : i32
    %scan3A_58 = arith.constant 125 : i32
    %scan3A_59 = arith.addi %scan3A_57, %scan3A_58 : i32
    %scan3A_60 = arith.constant 1 : i32
    scf.for %scan3A_68 = %scan3A_57 to %scan3A_59 step %scan3A_60  : i32 {
      %mul3A_69 = arith.constant 2 : i32
      %mul3A_70 = arith.muli %scan3A_68, %mul3A_69 : i32
      %add3A_71 = arith.constant 0 : i32
      %add3A_72 = arith.addi %add3A_71, %mul3A_70 : i32
      %dma_wait3A = arith.constant 0 : i32
      %dma_wait3A_73 = tpu.memref_slice %arg3[%dma_wait3A] : memref<320000xi32, #tpu.memory_space<hbm>> -> memref<80xi32, #tpu.memory_space<hbm>>
      %dma_wait3A_74 = arith.constant 0 : i32
      %dma_wait3A_75 = tpu.memref_slice %arg3[%dma_wait3A_74] : memref<320000xi32, #tpu.memory_space<hbm>> -> memref<80xi32, #tpu.memory_space<hbm>>
      tpu.wait_dma2 semaphore(%arg10 : memref<!tpu.dma_semaphore, #tpu.memory_space<semaphore_mem>>) src(%dma_wait3A_75 : memref<80xi32, #tpu.memory_space<hbm>>) dst(%arg6 : memref<80xi32, #tpu.memory_space<vmem>>)
      %dma_wait3A_76 = arith.constant 0 : i32
      %dma_wait3A_77 = arith.constant 0 : i32
      %dma_wait3A_78 = arith.constant 0 : i32
      %dma_wait3A_79 = tpu.memref_slice %arg7[%dma_wait3A_77, %dma_wait3A_76, %dma_wait3A_78] : memref<80x2x128xf32, #tpu.memory_space<vmem>> -> memref<80x1x128xf32, #tpu.memory_space<vmem>>
      %dma_wait3A_80 = tpu.memref_squeeze %dma_wait3A_79 : memref<80x1x128xf32, #tpu.memory_space<vmem>> -> memref<80x128xf32, #tpu.memory_space<vmem>>
      %dma_wait3A_81 = arith.constant 0 : i32
      %dma_wait3A_82 = arith.constant 0 : i32
      %dma_wait3A_83 = tpu.memref_slice %arg2[%dma_wait3A_81, %dma_wait3A_82] : memref<320000x128xf32, #tpu.memory_space<hbm>> -> memref<80x128xf32, #tpu.memory_space<hbm>>
      %dma_wait3A_84 = arith.constant 0 : i32
      %dma_wait3A_85 = arith.constant 0 : i32
      %dma_wait3A_86 = tpu.memref_slice %arg7[%dma_wait3A_84, %dma_wait3A_76, %dma_wait3A_85] : memref<80x2x128xf32, #tpu.memory_space<vmem>> -> memref<80x1x128xf32, #tpu.memory_space<vmem>>
      %dma_wait3A_87 = tpu.memref_squeeze %dma_wait3A_86 : memref<80x1x128xf32, #tpu.memory_space<vmem>> -> memref<80x128xf32, #tpu.memory_space<vmem>>
      %dma_wait3A_88 = arith.constant 0 : i32
      %dma_wait3A_89 = arith.constant 0 : i32
      %dma_wait3A_90 = tpu.memref_slice %arg2[%dma_wait3A_88, %dma_wait3A_89] : memref<320000x128xf32, #tpu.memory_space<hbm>> -> memref<80x128xf32, #tpu.memory_space<hbm>>
      tpu.wait_dma2 semaphore(%arg10 : memref<!tpu.dma_semaphore, #tpu.memory_space<semaphore_mem>>) src(%dma_wait3A_90 : memref<80x128xf32, #tpu.memory_space<hbm>>) dst(%dma_wait3A_87 : memref<80x128xf32, #tpu.memory_space<vmem>>)
      %get3A = arith.constant 0 : index
      %get3A_91 = tpu.vector_load %arg6[%get3A] {strides = array<i32>} : memref<80xi32, #tpu.memory_space<vmem>>, vector<16xi32>,
      %get3A_92 = vector.shape_cast %get3A_91 : vector<16xi32> to vector<16xi32>
      %sub3A = arith.subi %get3A_92, %broadcast_in_dim3A_26 : vector<16xi32>
      %ge3A = arith.constant 0 : i32
      %ge3A_93 = vector.broadcast %ge3A : i32 to vector<16xi32>
      %ge3A_94 = arith.cmpi sge, %sub3A, %ge3A_93 : vector<16xi32>
      %lt3A = arith.constant 5120 : i32
      %lt3A_95 = vector.broadcast %lt3A : i32 to vector<16xi32>
      %lt3A_96 = arith.cmpi slt, %sub3A, %lt3A_95 : vector<16xi32>
      %and3A = arith.andi %ge3A_94, %lt3A_96 : vector<16xi1>
      %broadcast_in_dim3A_97 = arith.constant 5120 : i32
      %broadcast_in_dim3A_98 = vector.broadcast %broadcast_in_dim3A_97 : i32 to vector<16xi32>
      %select_n3A_99 = arith.select %and3A, %sub3A, %broadcast_in_dim3A_98 : vector<16xi1>, vector<16xi32>
      %swap3A = arith.constant 0 : index
      %swap3A_100 = tpu.vector_load %arg6[%swap3A] {strides = array<i32>} : memref<80xi32, #tpu.memory_space<vmem>>, vector<16xi32>,
      %swap3A_101 = vector.shape_cast %swap3A_100 : vector<16xi32> to vector<16xi32>
      %swap3A_102 = vector.shape_cast %select_n3A_99 : vector<16xi32> to vector<16xi32>
      tpu.vector_store %arg6[%swap3A], %swap3A_102 {strides = array<i32>} : memref<80xi32, #tpu.memory_space<vmem>>, vector<16xi32>,
      %get3A_103 = arith.constant 16 : index
      %get3A_104 = tpu.vector_load %arg6[%get3A_103] {strides = array<i32>} : memref<80xi32, #tpu.memory_space<vmem>>, vector<16xi32>,
      %get3A_105 = vector.shape_cast %get3A_104 : vector<16xi32> to vector<16xi32>
      %sub3A_106 = arith.subi %get3A_105, %broadcast_in_dim3A_26 : vector<16xi32>
      %ge3A_107 = arith.constant 0 : i32
      %ge3A_108 = vector.broadcast %ge3A_107 : i32 to vector<16xi32>
      %ge3A_109 = arith.cmpi sge, %sub3A_106, %ge3A_108 : vector<16xi32>
      %lt3A_110 = arith.constant 5120 : i32
      %lt3A_111 = vector.broadcast %lt3A_110 : i32 to vector<16xi32>
      %lt3A_112 = arith.cmpi slt, %sub3A_106, %lt3A_111 : vector<16xi32>
      %and3A_113 = arith.andi %ge3A_109, %lt3A_112 : vector<16xi1>
      %broadcast_in_dim3A_114 = arith.constant 5120 : i32
      %broadcast_in_dim3A_115 = vector.broadcast %broadcast_in_dim3A_114 : i32 to vector<16xi32>
      %select_n3A_116 = arith.select %and3A_113, %sub3A_106, %broadcast_in_dim3A_115 : vector<16xi1>, vector<16xi32>
      %swap3A_117 = arith.constant 16 : index
      %swap3A_118 = tpu.vector_load %arg6[%swap3A_117] {strides = array<i32>} : memref<80xi32, #tpu.memory_space<vmem>>, vector<16xi32>,
      %swap3A_119 = vector.shape_cast %swap3A_118 : vector<16xi32> to vector<16xi32>
      %swap3A_120 = vector.shape_cast %select_n3A_116 : vector<16xi32> to vector<16xi32>
      tpu.vector_store %arg6[%swap3A_117], %swap3A_120 {strides = array<i32>} : memref<80xi32, #tpu.memory_space<vmem>>, vector<16xi32>,
      %get3A_121 = arith.constant 32 : index
      %get3A_122 = tpu.vector_load %arg6[%get3A_121] {strides = array<i32>} : memref<80xi32, #tpu.memory_space<vmem>>, vector<16xi32>,
      %get3A_123 = vector.shape_cast %get3A_122 : vector<16xi32> to vector<16xi32>
      %sub3A_124 = arith.subi %get3A_123, %broadcast_in_dim3A_26 : vector<16xi32>
      %ge3A_125 = arith.constant 0 : i32
      %ge3A_126 = vector.broadcast %ge3A_125 : i32 to vector<16xi32>
      %ge3A_127 = arith.cmpi sge, %sub3A_124, %ge3A_126 : vector<16xi32>
      %lt3A_128 = arith.constant 5120 : i32
      %lt3A_129 = vector.broadcast %lt3A_128 : i32 to vector<16xi32>
      %lt3A_130 = arith.cmpi slt, %sub3A_124, %lt3A_129 : vector<16xi32>
      %and3A_131 = arith.andi %ge3A_127, %lt3A_130 : vector<16xi1>
      %broadcast_in_dim3A_132 = arith.constant 5120 : i32
      %broadcast_in_dim3A_133 = vector.broadcast %broadcast_in_dim3A_132 : i32 to vector<16xi32>
      %select_n3A_134 = arith.select %and3A_131, %sub3A_124, %broadcast_in_dim3A_133 : vector<16xi1>, vector<16xi32>
      %swap3A_135 = arith.constant 32 : index
      %swap3A_136 = tpu.vector_load %arg6[%swap3A_135] {strides = array<i32>} : memref<80xi32, #tpu.memory_space<vmem>>, vector<16xi32>,
      %swap3A_137 = vector.shape_cast %swap3A_136 : vector<16xi32> to vector<16xi32>
      %swap3A_138 = vector.shape_cast %select_n3A_134 : vector<16xi32> to vector<16xi32>
      tpu.vector_store %arg6[%swap3A_135], %swap3A_138 {strides = array<i32>} : memref<80xi32, #tpu.memory_space<vmem>>, vector<16xi32>,
      %get3A_139 = arith.constant 48 : index
      %get3A_140 = tpu.vector_load %arg6[%get3A_139] {strides = array<i32>} : memref<80xi32, #tpu.memory_space<vmem>>, vector<16xi32>,
      %get3A_141 = vector.shape_cast %get3A_140 : vector<16xi32> to vector<16xi32>
      %sub3A_142 = arith.subi %get3A_141, %broadcast_in_dim3A_26 : vector<16xi32>
      %ge3A_143 = arith.constant 0 : i32
      %ge3A_144 = vector.broadcast %ge3A_143 : i32 to vector<16xi32>
      %ge3A_145 = arith.cmpi sge, %sub3A_142, %ge3A_144 : vector<16xi32>
      %lt3A_146 = arith.constant 5120 : i32
      %lt3A_147 = vector.broadcast %lt3A_146 : i32 to vector<16xi32>
      %lt3A_148 = arith.cmpi slt, %sub3A_142, %lt3A_147 : vector<16xi32>
      %and3A_149 = arith.andi %ge3A_145, %lt3A_148 : vector<16xi1>
      %broadcast_in_dim3A_150 = arith.constant 5120 : i32
      %broadcast_in_dim3A_151 = vector.broadcast %broadcast_in_dim3A_150 : i32 to vector<16xi32>
      %select_n3A_152 = arith.select %and3A_149, %sub3A_142, %broadcast_in_dim3A_151 : vector<16xi1>, vector<16xi32>
      %swap3A_153 = arith.constant 48 : index
      %swap3A_154 = tpu.vector_load %arg6[%swap3A_153] {strides = array<i32>} : memref<80xi32, #tpu.memory_space<vmem>>, vector<16xi32>,
      %swap3A_155 = vector.shape_cast %swap3A_154 : vector<16xi32> to vector<16xi32>
      %swap3A_156 = vector.shape_cast %select_n3A_152 : vector<16xi32> to vector<16xi32>
      tpu.vector_store %arg6[%swap3A_153], %swap3A_156 {strides = array<i32>} : memref<80xi32, #tpu.memory_space<vmem>>, vector<16xi32>,
      %get3A_157 = arith.constant 64 : index
      %get3A_158 = tpu.vector_load %arg6[%get3A_157] {strides = array<i32>} : memref<80xi32, #tpu.memory_space<vmem>>, vector<16xi32>,
      %get3A_159 = vector.shape_cast %get3A_158 : vector<16xi32> to vector<16xi32>
      %sub3A_160 = arith.subi %get3A_159, %broadcast_in_dim3A_26 : vector<16xi32>
      %ge3A_161 = arith.constant 0 : i32
      %ge3A_162 = vector.broadcast %ge3A_161 : i32 to vector<16xi32>
      %ge3A_163 = arith.cmpi sge, %sub3A_160, %ge3A_162 : vector<16xi32>
      %lt3A_164 = arith.constant 5120 : i32
      %lt3A_165 = vector.broadcast %lt3A_164 : i32 to vector<16xi32>
      %lt3A_166 = arith.cmpi slt, %sub3A_160, %lt3A_165 : vector<16xi32>
      %and3A_167 = arith.andi %ge3A_163, %lt3A_166 : vector<16xi1>
      %broadcast_in_dim3A_168 = arith.constant 5120 : i32
      %broadcast_in_dim3A_169 = vector.broadcast %broadcast_in_dim3A_168 : i32 to vector<16xi32>
      %select_n3A_170 = arith.select %and3A_167, %sub3A_160, %broadcast_in_dim3A_169 : vector<16xi1>, vector<16xi32>
      %swap3A_171 = arith.constant 64 : index
      %swap3A_172 = tpu.vector_load %arg6[%swap3A_171] {strides = array<i32>} : memref<80xi32, #tpu.memory_space<vmem>>, vector<16xi32>,
      %swap3A_173 = vector.shape_cast %swap3A_172 : vector<16xi32> to vector<16xi32>
      %swap3A_174 = vector.shape_cast %select_n3A_170 : vector<16xi32> to vector<16xi32>
      tpu.vector_store %arg6[%swap3A_171], %swap3A_174 {strides = array<i32>} : memref<80xi32, #tpu.memory_space<vmem>>, vector<16xi32>,
      "tpu.region"() ({
        %run_scoped3A = tpu.sem_alloc : memref<!tpu.dma_semaphore, #tpu.memory_space<semaphore_mem>>
        %dma_start3A_302 = arith.constant 0 : i32
        %dma_start3A_303 = arith.constant 0 : i32
        %dma_start3A_304 = arith.constant 0 : i32
        %dma_start3A_305 = tpu.memref_slice %arg5[%dma_start3A_302, %dma_start3A_303, %dma_start3A_304] : memref<5128x2x128xf32, #tpu.memory_space<vmem_shared>> -> memref<5128x2x128xf32, #tpu.memory_space<vmem_shared>>
        tpu.enqueue_indirect_dma source(%arg7 : memref<80x2x128xf32, #tpu.memory_space<vmem>>) target(%dma_start3A_305 : memref<5128x2x128xf32, #tpu.memory_space<vmem_shared>>) offsets(%arg6 : memref<80xi32, #tpu.memory_space<vmem>>) semaphore(%run_scoped3A : memref<!tpu.dma_semaphore, #tpu.memory_space<semaphore_mem>>) {add = true}
        %dma_wait3A_306 = arith.constant 0 : i32
        %dma_wait3A_307 = arith.constant 0 : i32
        %dma_wait3A_308 = arith.constant 0 : i32
        %dma_wait3A_309 = tpu.memref_slice %arg5[%dma_wait3A_306, %dma_wait3A_307, %dma_wait3A_308] : memref<5128x2x128xf32, #tpu.memory_space<vmem_shared>> -> memref<5128x2x128xf32, #tpu.memory_space<vmem_shared>>
        tpu.wait_indirect_dma semaphore(%run_scoped3A : memref<!tpu.dma_semaphore, #tpu.memory_space<semaphore_mem>>) src(%arg7 : memref<80x2x128xf32, #tpu.memory_space<vmem>>) dst(%dma_wait3A_309 : memref<5128x2x128xf32, #tpu.memory_space<vmem_shared>>)
        tpu.yield
      }) : () -> ()
      %add3A_175 = arith.constant 0 : i32
      %add3A_176 = arith.addi %add3A_72, %add3A_175 : i32
      %add3A_177 = arith.constant 2 : i32
      %add3A_178 = arith.addi %add3A_176, %add3A_177 : i32
      %lt3A_179 = arith.constant 250 : i32
      %lt3A_180 = arith.cmpi slt, %add3A_178, %lt3A_179 : i32
      %convert_element_type3A_181 = arith.extui %lt3A_180 : i1 to i32
      %cond3A_182 = arith.constant 0 : i32
      %cond3A_183 = arith.cmpi ne, %convert_element_type3A_181, %cond3A_182 : i32
      scf.if %cond3A_183 {
        %add3A_302 = arith.constant 2 : i32
        %add3A_303 = arith.addi %add3A_176, %add3A_302 : i32
        %mul3A_304 = arith.constant 80 : i32
        %mul3A_305 = arith.muli %add3A_303, %mul3A_304 : i32
        %add3A_306 = arith.addi %mul3A_0, %mul3A_305 : i32
        %dma_start3A_307 = tpu.memref_slice %arg3[%add3A_306] : memref<320000xi32, #tpu.memory_space<hbm>> -> memref<80xi32, #tpu.memory_space<hbm>>
        %dma_start3A_308 = tpu.memref_slice %arg3[%add3A_306] : memref<320000xi32, #tpu.memory_space<hbm>> -> memref<80xi32, #tpu.memory_space<hbm>>
        tpu.enqueue_dma source(%dma_start3A_308 : memref<80xi32, #tpu.memory_space<hbm>>) target(%arg6 : memref<80xi32, #tpu.memory_space<vmem>>) target_semaphore(%arg10 : memref<!tpu.dma_semaphore, #tpu.memory_space<semaphore_mem>>)
        %dma_start3A_309 = arith.constant 0 : i32
        %dma_start3A_310 = arith.constant 0 : i32
        %dma_start3A_311 = arith.constant 0 : i32
        %dma_start3A_312 = tpu.memref_slice %arg7[%dma_start3A_310, %dma_start3A_309, %dma_start3A_311] : memref<80x2x128xf32, #tpu.memory_space<vmem>> -> memref<80x1x128xf32, #tpu.memory_space<vmem>>
        %dma_start3A_313 = tpu.memref_squeeze %dma_start3A_312 : memref<80x1x128xf32, #tpu.memory_space<vmem>> -> memref<80x128xf32, #tpu.memory_space<vmem>>
        %dma_start3A_314 = arith.constant 0 : i32
        %dma_start3A_315 = tpu.memref_slice %arg2[%add3A_306, %dma_start3A_314] : memref<320000x128xf32, #tpu.memory_space<hbm>> -> memref<80x128xf32, #tpu.memory_space<hbm>>
        %dma_start3A_316 = arith.constant 0 : i32
        %dma_start3A_317 = arith.constant 0 : i32
        %dma_start3A_318 = tpu.memref_slice %arg7[%dma_start3A_316, %dma_start3A_309, %dma_start3A_317] : memref<80x2x128xf32, #tpu.memory_space<vmem>> -> memref<80x1x128xf32, #tpu.memory_space<vmem>>
        %dma_start3A_319 = tpu.memref_squeeze %dma_start3A_318 : memref<80x1x128xf32, #tpu.memory_space<vmem>> -> memref<80x128xf32, #tpu.memory_space<vmem>>
        %dma_start3A_320 = arith.constant 0 : i32
        %dma_start3A_321 = tpu.memref_slice %arg2[%add3A_306, %dma_start3A_320] : memref<320000x128xf32, #tpu.memory_space<hbm>> -> memref<80x128xf32, #tpu.memory_space<hbm>>
        tpu.enqueue_dma source(%dma_start3A_321 : memref<80x128xf32, #tpu.memory_space<hbm>>) target(%dma_start3A_319 : memref<80x128xf32, #tpu.memory_space<vmem>>) target_semaphore(%arg10 : memref<!tpu.dma_semaphore, #tpu.memory_space<semaphore_mem>>)
      } else {
      }
      %dma_wait3A_184 = arith.constant 0 : i32
      %dma_wait3A_185 = tpu.memref_slice %arg3[%dma_wait3A_184] : memref<320000xi32, #tpu.memory_space<hbm>> -> memref<80xi32, #tpu.memory_space<hbm>>
      %dma_wait3A_186 = arith.constant 0 : i32
      %dma_wait3A_187 = tpu.memref_slice %arg3[%dma_wait3A_186] : memref<320000xi32, #tpu.memory_space<hbm>> -> memref<80xi32, #tpu.memory_space<hbm>>
      tpu.wait_dma2 semaphore(%arg11 : memref<!tpu.dma_semaphore, #tpu.memory_space<semaphore_mem>>) src(%dma_wait3A_187 : memref<80xi32, #tpu.memory_space<hbm>>) dst(%arg8 : memref<80xi32, #tpu.memory_space<vmem>>)
      %dma_wait3A_188 = arith.constant 0 : i32
      %dma_wait3A_189 = arith.constant 0 : i32
      %dma_wait3A_190 = arith.constant 0 : i32
      %dma_wait3A_191 = tpu.memref_slice %arg9[%dma_wait3A_189, %dma_wait3A_188, %dma_wait3A_190] : memref<80x2x128xf32, #tpu.memory_space<vmem>> -> memref<80x1x128xf32, #tpu.memory_space<vmem>>
      %dma_wait3A_192 = tpu.memref_squeeze %dma_wait3A_191 : memref<80x1x128xf32, #tpu.memory_space<vmem>> -> memref<80x128xf32, #tpu.memory_space<vmem>>
      %dma_wait3A_193 = arith.constant 0 : i32
      %dma_wait3A_194 = arith.constant 0 : i32
      %dma_wait3A_195 = tpu.memref_slice %arg2[%dma_wait3A_193, %dma_wait3A_194] : memref<320000x128xf32, #tpu.memory_space<hbm>> -> memref<80x128xf32, #tpu.memory_space<hbm>>
      %dma_wait3A_196 = arith.constant 0 : i32
      %dma_wait3A_197 = arith.constant 0 : i32
      %dma_wait3A_198 = tpu.memref_slice %arg9[%dma_wait3A_196, %dma_wait3A_188, %dma_wait3A_197] : memref<80x2x128xf32, #tpu.memory_space<vmem>> -> memref<80x1x128xf32, #tpu.memory_space<vmem>>
      %dma_wait3A_199 = tpu.memref_squeeze %dma_wait3A_198 : memref<80x1x128xf32, #tpu.memory_space<vmem>> -> memref<80x128xf32, #tpu.memory_space<vmem>>
      %dma_wait3A_200 = arith.constant 0 : i32
      %dma_wait3A_201 = arith.constant 0 : i32
      %dma_wait3A_202 = tpu.memref_slice %arg2[%dma_wait3A_200, %dma_wait3A_201] : memref<320000x128xf32, #tpu.memory_space<hbm>> -> memref<80x128xf32, #tpu.memory_space<hbm>>
      tpu.wait_dma2 semaphore(%arg11 : memref<!tpu.dma_semaphore, #tpu.memory_space<semaphore_mem>>) src(%dma_wait3A_202 : memref<80x128xf32, #tpu.memory_space<hbm>>) dst(%dma_wait3A_199 : memref<80x128xf32, #tpu.memory_space<vmem>>)
      %get3A_203 = arith.constant 0 : index
      %get3A_204 = tpu.vector_load %arg8[%get3A_203] {strides = array<i32>} : memref<80xi32, #tpu.memory_space<vmem>>, vector<16xi32>,
      %get3A_205 = vector.shape_cast %get3A_204 : vector<16xi32> to vector<16xi32>
      %sub3A_206 = arith.subi %get3A_205, %broadcast_in_dim3A_26 : vector<16xi32>
      %ge3A_207 = arith.constant 0 : i32
      %ge3A_208 = vector.broadcast %ge3A_207 : i32 to vector<16xi32>
      %ge3A_209 = arith.cmpi sge, %sub3A_206, %ge3A_208 : vector<16xi32>
      %lt3A_210 = arith.constant 5120 : i32
      %lt3A_211 = vector.broadcast %lt3A_210 : i32 to vector<16xi32>
      %lt3A_212 = arith.cmpi slt, %sub3A_206, %lt3A_211 : vector<16xi32>
      %and3A_213 = arith.andi %ge3A_209, %lt3A_212 : vector<16xi1>
      %broadcast_in_dim3A_214 = arith.constant 5120 : i32
      %broadcast_in_dim3A_215 = vector.broadcast %broadcast_in_dim3A_214 : i32 to vector<16xi32>
      %select_n3A_216 = arith.select %and3A_213, %sub3A_206, %broadcast_in_dim3A_215 : vector<16xi1>, vector<16xi32>
      %swap3A_217 = arith.constant 0 : index
      %swap3A_218 = tpu.vector_load %arg8[%swap3A_217] {strides = array<i32>} : memref<80xi32, #tpu.memory_space<vmem>>, vector<16xi32>,
      %swap3A_219 = vector.shape_cast %swap3A_218 : vector<16xi32> to vector<16xi32>
      %swap3A_220 = vector.shape_cast %select_n3A_216 : vector<16xi32> to vector<16xi32>
      tpu.vector_store %arg8[%swap3A_217], %swap3A_220 {strides = array<i32>} : memref<80xi32, #tpu.memory_space<vmem>>, vector<16xi32>,
      %get3A_221 = arith.constant 16 : index
      %get3A_222 = tpu.vector_load %arg8[%get3A_221] {strides = array<i32>} : memref<80xi32, #tpu.memory_space<vmem>>, vector<16xi32>,
      %get3A_223 = vector.shape_cast %get3A_222 : vector<16xi32> to vector<16xi32>
      %sub3A_224 = arith.subi %get3A_223, %broadcast_in_dim3A_26 : vector<16xi32>
      %ge3A_225 = arith.constant 0 : i32
      %ge3A_226 = vector.broadcast %ge3A_225 : i32 to vector<16xi32>
      %ge3A_227 = arith.cmpi sge, %sub3A_224, %ge3A_226 : vector<16xi32>
      %lt3A_228 = arith.constant 5120 : i32
      %lt3A_229 = vector.broadcast %lt3A_228 : i32 to vector<16xi32>
      %lt3A_230 = arith.cmpi slt, %sub3A_224, %lt3A_229 : vector<16xi32>
      %and3A_231 = arith.andi %ge3A_227, %lt3A_230 : vector<16xi1>
      %broadcast_in_dim3A_232 = arith.constant 5120 : i32
      %broadcast_in_dim3A_233 = vector.broadcast %broadcast_in_dim3A_232 : i32 to vector<16xi32>
      %select_n3A_234 = arith.select %and3A_231, %sub3A_224, %broadcast_in_dim3A_233 : vector<16xi1>, vector<16xi32>
      %swap3A_235 = arith.constant 16 : index
      %swap3A_236 = tpu.vector_load %arg8[%swap3A_235] {strides = array<i32>} : memref<80xi32, #tpu.memory_space<vmem>>, vector<16xi32>,
      %swap3A_237 = vector.shape_cast %swap3A_236 : vector<16xi32> to vector<16xi32>
      %swap3A_238 = vector.shape_cast %select_n3A_234 : vector<16xi32> to vector<16xi32>
      tpu.vector_store %arg8[%swap3A_235], %swap3A_238 {strides = array<i32>} : memref<80xi32, #tpu.memory_space<vmem>>, vector<16xi32>,
      %get3A_239 = arith.constant 32 : index
      %get3A_240 = tpu.vector_load %arg8[%get3A_239] {strides = array<i32>} : memref<80xi32, #tpu.memory_space<vmem>>, vector<16xi32>,
      %get3A_241 = vector.shape_cast %get3A_240 : vector<16xi32> to vector<16xi32>
      %sub3A_242 = arith.subi %get3A_241, %broadcast_in_dim3A_26 : vector<16xi32>
      %ge3A_243 = arith.constant 0 : i32
      %ge3A_244 = vector.broadcast %ge3A_243 : i32 to vector<16xi32>
      %ge3A_245 = arith.cmpi sge, %sub3A_242, %ge3A_244 : vector<16xi32>
      %lt3A_246 = arith.constant 5120 : i32
      %lt3A_247 = vector.broadcast %lt3A_246 : i32 to vector<16xi32>
      %lt3A_248 = arith.cmpi slt, %sub3A_242, %lt3A_247 : vector<16xi32>
      %and3A_249 = arith.andi %ge3A_245, %lt3A_248 : vector<16xi1>
      %broadcast_in_dim3A_250 = arith.constant 5120 : i32
      %broadcast_in_dim3A_251 = vector.broadcast %broadcast_in_dim3A_250 : i32 to vector<16xi32>
      %select_n3A_252 = arith.select %and3A_249, %sub3A_242, %broadcast_in_dim3A_251 : vector<16xi1>, vector<16xi32>
      %swap3A_253 = arith.constant 32 : index
      %swap3A_254 = tpu.vector_load %arg8[%swap3A_253] {strides = array<i32>} : memref<80xi32, #tpu.memory_space<vmem>>, vector<16xi32>,
      %swap3A_255 = vector.shape_cast %swap3A_254 : vector<16xi32> to vector<16xi32>
      %swap3A_256 = vector.shape_cast %select_n3A_252 : vector<16xi32> to vector<16xi32>
      tpu.vector_store %arg8[%swap3A_253], %swap3A_256 {strides = array<i32>} : memref<80xi32, #tpu.memory_space<vmem>>, vector<16xi32>,
      %get3A_257 = arith.constant 48 : index
      %get3A_258 = tpu.vector_load %arg8[%get3A_257] {strides = array<i32>} : memref<80xi32, #tpu.memory_space<vmem>>, vector<16xi32>,
      %get3A_259 = vector.shape_cast %get3A_258 : vector<16xi32> to vector<16xi32>
      %sub3A_260 = arith.subi %get3A_259, %broadcast_in_dim3A_26 : vector<16xi32>
      %ge3A_261 = arith.constant 0 : i32
      %ge3A_262 = vector.broadcast %ge3A_261 : i32 to vector<16xi32>
      %ge3A_263 = arith.cmpi sge, %sub3A_260, %ge3A_262 : vector<16xi32>
      %lt3A_264 = arith.constant 5120 : i32
      %lt3A_265 = vector.broadcast %lt3A_264 : i32 to vector<16xi32>
      %lt3A_266 = arith.cmpi slt, %sub3A_260, %lt3A_265 : vector<16xi32>
      %and3A_267 = arith.andi %ge3A_263, %lt3A_266 : vector<16xi1>
      %broadcast_in_dim3A_268 = arith.constant 5120 : i32
      %broadcast_in_dim3A_269 = vector.broadcast %broadcast_in_dim3A_268 : i32 to vector<16xi32>
      %select_n3A_270 = arith.select %and3A_267, %sub3A_260, %broadcast_in_dim3A_269 : vector<16xi1>, vector<16xi32>
      %swap3A_271 = arith.constant 48 : index
      %swap3A_272 = tpu.vector_load %arg8[%swap3A_271] {strides = array<i32>} : memref<80xi32, #tpu.memory_space<vmem>>, vector<16xi32>,
      %swap3A_273 = vector.shape_cast %swap3A_272 : vector<16xi32> to vector<16xi32>
      %swap3A_274 = vector.shape_cast %select_n3A_270 : vector<16xi32> to vector<16xi32>
      tpu.vector_store %arg8[%swap3A_271], %swap3A_274 {strides = array<i32>} : memref<80xi32, #tpu.memory_space<vmem>>, vector<16xi32>,
      %get3A_275 = arith.constant 64 : index
      %get3A_276 = tpu.vector_load %arg8[%get3A_275] {strides = array<i32>} : memref<80xi32, #tpu.memory_space<vmem>>, vector<16xi32>,
      %get3A_277 = vector.shape_cast %get3A_276 : vector<16xi32> to vector<16xi32>
      %sub3A_278 = arith.subi %get3A_277, %broadcast_in_dim3A_26 : vector<16xi32>
      %ge3A_279 = arith.constant 0 : i32
      %ge3A_280 = vector.broadcast %ge3A_279 : i32 to vector<16xi32>
      %ge3A_281 = arith.cmpi sge, %sub3A_278, %ge3A_280 : vector<16xi32>
      %lt3A_282 = arith.constant 5120 : i32
      %lt3A_283 = vector.broadcast %lt3A_282 : i32 to vector<16xi32>
      %lt3A_284 = arith.cmpi slt, %sub3A_278, %lt3A_283 : vector<16xi32>
      %and3A_285 = arith.andi %ge3A_281, %lt3A_284 : vector<16xi1>
      %broadcast_in_dim3A_286 = arith.constant 5120 : i32
      %broadcast_in_dim3A_287 = vector.broadcast %broadcast_in_dim3A_286 : i32 to vector<16xi32>
      %select_n3A_288 = arith.select %and3A_285, %sub3A_278, %broadcast_in_dim3A_287 : vector<16xi1>, vector<16xi32>
      %swap3A_289 = arith.constant 64 : index
      %swap3A_290 = tpu.vector_load %arg8[%swap3A_289] {strides = array<i32>} : memref<80xi32, #tpu.memory_space<vmem>>, vector<16xi32>,
      %swap3A_291 = vector.shape_cast %swap3A_290 : vector<16xi32> to vector<16xi32>
      %swap3A_292 = vector.shape_cast %select_n3A_288 : vector<16xi32> to vector<16xi32>
      tpu.vector_store %arg8[%swap3A_289], %swap3A_292 {strides = array<i32>} : memref<80xi32, #tpu.memory_space<vmem>>, vector<16xi32>,
      "tpu.region"() ({
        %run_scoped3A = tpu.sem_alloc : memref<!tpu.dma_semaphore, #tpu.memory_space<semaphore_mem>>
        %dma_start3A_302 = arith.constant 0 : i32
        %dma_start3A_303 = arith.constant 0 : i32
        %dma_start3A_304 = arith.constant 0 : i32
        %dma_start3A_305 = tpu.memref_slice %arg5[%dma_start3A_302, %dma_start3A_303, %dma_start3A_304] : memref<5128x2x128xf32, #tpu.memory_space<vmem_shared>> -> memref<5128x2x128xf32, #tpu.memory_space<vmem_shared>>
        tpu.enqueue_indirect_dma source(%arg9 : memref<80x2x128xf32, #tpu.memory_space<vmem>>) target(%dma_start3A_305 : memref<5128x2x128xf32, #tpu.memory_space<vmem_shared>>) offsets(%arg8 : memref<80xi32, #tpu.memory_space<vmem>>) semaphore(%run_scoped3A : memref<!tpu.dma_semaphore, #tpu.memory_space<semaphore_mem>>) {add = true}
        %dma_wait3A_306 = arith.constant 0 : i32
        %dma_wait3A_307 = arith.constant 0 : i32
        %dma_wait3A_308 = arith.constant 0 : i32
        %dma_wait3A_309 = tpu.memref_slice %arg5[%dma_wait3A_306, %dma_wait3A_307, %dma_wait3A_308] : memref<5128x2x128xf32, #tpu.memory_space<vmem_shared>> -> memref<5128x2x128xf32, #tpu.memory_space<vmem_shared>>
        tpu.wait_indirect_dma semaphore(%run_scoped3A : memref<!tpu.dma_semaphore, #tpu.memory_space<semaphore_mem>>) src(%arg9 : memref<80x2x128xf32, #tpu.memory_space<vmem>>) dst(%dma_wait3A_309 : memref<5128x2x128xf32, #tpu.memory_space<vmem_shared>>)
        tpu.yield
      }) : () -> ()
      %add3A_293 = arith.constant 1 : i32
      %add3A_294 = arith.addi %add3A_72, %add3A_293 : i32
      %add3A_295 = arith.constant 2 : i32
      %add3A_296 = arith.addi %add3A_294, %add3A_295 : i32
      %lt3A_297 = arith.constant 250 : i32
      %lt3A_298 = arith.cmpi slt, %add3A_296, %lt3A_297 : i32
      %convert_element_type3A_299 = arith.extui %lt3A_298 : i1 to i32
      %cond3A_300 = arith.constant 0 : i32
      %cond3A_301 = arith.cmpi ne, %convert_element_type3A_299, %cond3A_300 : i32
      scf.if %cond3A_301 {
        %add3A_302 = arith.constant 2 : i32
        %add3A_303 = arith.addi %add3A_294, %add3A_302 : i32
        %mul3A_304 = arith.constant 80 : i32
        %mul3A_305 = arith.muli %add3A_303, %mul3A_304 : i32
        %add3A_306 = arith.addi %mul3A_0, %mul3A_305 : i32
        %dma_start3A_307 = tpu.memref_slice %arg3[%add3A_306] : memref<320000xi32, #tpu.memory_space<hbm>> -> memref<80xi32, #tpu.memory_space<hbm>>
        %dma_start3A_308 = tpu.memref_slice %arg3[%add3A_306] : memref<320000xi32, #tpu.memory_space<hbm>> -> memref<80xi32, #tpu.memory_space<hbm>>
        tpu.enqueue_dma source(%dma_start3A_308 : memref<80xi32, #tpu.memory_space<hbm>>) target(%arg8 : memref<80xi32, #tpu.memory_space<vmem>>) target_semaphore(%arg11 : memref<!tpu.dma_semaphore, #tpu.memory_space<semaphore_mem>>)
        %dma_start3A_309 = arith.constant 0 : i32
        %dma_start3A_310 = arith.constant 0 : i32
        %dma_start3A_311 = arith.constant 0 : i32
        %dma_start3A_312 = tpu.memref_slice %arg9[%dma_start3A_310, %dma_start3A_309, %dma_start3A_311] : memref<80x2x128xf32, #tpu.memory_space<vmem>> -> memref<80x1x128xf32, #tpu.memory_space<vmem>>
        %dma_start3A_313 = tpu.memref_squeeze %dma_start3A_312 : memref<80x1x128xf32, #tpu.memory_space<vmem>> -> memref<80x128xf32, #tpu.memory_space<vmem>>
        %dma_start3A_314 = arith.constant 0 : i32
        %dma_start3A_315 = tpu.memref_slice %arg2[%add3A_306, %dma_start3A_314] : memref<320000x128xf32, #tpu.memory_space<hbm>> -> memref<80x128xf32, #tpu.memory_space<hbm>>
        %dma_start3A_316 = arith.constant 0 : i32
        %dma_start3A_317 = arith.constant 0 : i32
        %dma_start3A_318 = tpu.memref_slice %arg9[%dma_start3A_316, %dma_start3A_309, %dma_start3A_317] : memref<80x2x128xf32, #tpu.memory_space<vmem>> -> memref<80x1x128xf32, #tpu.memory_space<vmem>>
        %dma_start3A_319 = tpu.memref_squeeze %dma_start3A_318 : memref<80x1x128xf32, #tpu.memory_space<vmem>> -> memref<80x128xf32, #tpu.memory_space<vmem>>
        %dma_start3A_320 = arith.constant 0 : i32
        %dma_start3A_321 = tpu.memref_slice %arg2[%add3A_306, %dma_start3A_320] : memref<320000x128xf32, #tpu.memory_space<hbm>> -> memref<80x128xf32, #tpu.memory_space<hbm>>
        tpu.enqueue_dma source(%dma_start3A_321 : memref<80x128xf32, #tpu.memory_space<hbm>>) target(%dma_start3A_319 : memref<80x128xf32, #tpu.memory_space<vmem>>) target_semaphore(%arg11 : memref<!tpu.dma_semaphore, #tpu.memory_space<semaphore_mem>>)
      } else {
      }
    }
    %scan3A_61 = arith.constant 125 : i32
    %barrier3A_62 = arith.constant 0 : index
    tpu.barrier barrier_id(%barrier3A_62)
    %scan3A_63 = arith.constant 0 : i32
    %scan3A_64 = arith.constant 4 : i32
    %scan3A_65 = arith.addi %scan3A_63, %scan3A_64 : i32
    %scan3A_66 = arith.constant 1 : i32
    scf.for %scan3A_68 = %scan3A_63 to %scan3A_65 step %scan3A_66  : i32 {
      %mul3A_69 = arith.constant 1 : i32
      %mul3A_70 = arith.muli %scan3A_68, %mul3A_69 : i32
      %add3A_71 = arith.constant 0 : i32
      %add3A_72 = arith.addi %add3A_71, %mul3A_70 : i32
      %mul3A_73 = arith.constant 80 : i32
      %mul3A_74 = arith.muli %add3A_72, %mul3A_73 : i32
      %add3A_75 = arith.addi %mul3A_2, %mul3A_74 : i32
      "tpu.region"() ({
        %run_scoped3A = tpu.sem_alloc : memref<!tpu.dma_semaphore, #tpu.memory_space<semaphore_mem>>
        %dma_start3A_77 = arith.constant 0 : i32
        %dma_start3A_78 = arith.constant 0 : i32
        %dma_start3A_79 = tpu.memref_slice %arg5[%add3A_75, %dma_start3A_77, %dma_start3A_78] : memref<5128x2x128xf32, #tpu.memory_space<vmem_shared>> -> memref<80x2x128xf32, #tpu.memory_space<vmem_shared>>
        %dma_start3A_80 = arith.constant 0 : i32
        %dma_start3A_81 = arith.constant 0 : i32
        %dma_start3A_82 = tpu.memref_slice %arg5[%add3A_75, %dma_start3A_80, %dma_start3A_81] : memref<5128x2x128xf32, #tpu.memory_space<vmem_shared>> -> memref<80x2x128xf32, #tpu.memory_space<vmem_shared>>
        tpu.enqueue_dma source(%dma_start3A_82 : memref<80x2x128xf32, #tpu.memory_space<vmem_shared>>) target(%arg7 : memref<80x2x128xf32, #tpu.memory_space<vmem>>) target_semaphore(%run_scoped3A : memref<!tpu.dma_semaphore, #tpu.memory_space<semaphore_mem>>)
        %dma_wait3A = arith.constant 0 : i32
        %dma_wait3A_83 = arith.constant 0 : i32
        %dma_wait3A_84 = tpu.memref_slice %arg5[%add3A_75, %dma_wait3A, %dma_wait3A_83] : memref<5128x2x128xf32, #tpu.memory_space<vmem_shared>> -> memref<80x2x128xf32, #tpu.memory_space<vmem_shared>>
        %dma_wait3A_85 = arith.constant 0 : i32
        %dma_wait3A_86 = arith.constant 0 : i32
        %dma_wait3A_87 = tpu.memref_slice %arg5[%add3A_75, %dma_wait3A_85, %dma_wait3A_86] : memref<5128x2x128xf32, #tpu.memory_space<vmem_shared>> -> memref<80x2x128xf32, #tpu.memory_space<vmem_shared>>
        tpu.wait_dma2 semaphore(%run_scoped3A : memref<!tpu.dma_semaphore, #tpu.memory_space<semaphore_mem>>) src(%dma_wait3A_87 : memref<80x2x128xf32, #tpu.memory_space<vmem_shared>>) dst(%arg7 : memref<80x2x128xf32, #tpu.memory_space<vmem>>)
        tpu.yield
      }) : () -> ()
      %add3A_76 = arith.addi %mul3A_4, %add3A_75 : i32
      "tpu.region"() ({
        %run_scoped3A = tpu.sem_alloc : memref<!tpu.dma_semaphore, #tpu.memory_space<semaphore_mem>>
        %dma_start3A_77 = arith.constant 0 : i32
        %dma_start3A_78 = arith.constant 0 : i32
        %dma_start3A_79 = tpu.memref_slice %arg4[%add3A_76, %dma_start3A_77, %dma_start3A_78] : memref<10240x2x128xf32, #tpu.memory_space<hbm>> -> memref<80x2x128xf32, #tpu.memory_space<hbm>>
        %dma_start3A_80 = arith.constant 0 : i32
        %dma_start3A_81 = arith.constant 0 : i32
        %dma_start3A_82 = tpu.memref_slice %arg4[%add3A_76, %dma_start3A_80, %dma_start3A_81] : memref<10240x2x128xf32, #tpu.memory_space<hbm>> -> memref<80x2x128xf32, #tpu.memory_space<hbm>>
        tpu.enqueue_dma source(%arg7 : memref<80x2x128xf32, #tpu.memory_space<vmem>>) target(%dma_start3A_82 : memref<80x2x128xf32, #tpu.memory_space<hbm>>) target_semaphore(%run_scoped3A : memref<!tpu.dma_semaphore, #tpu.memory_space<semaphore_mem>>)
        %dma_wait3A = arith.constant 0 : i32
        %dma_wait3A_83 = arith.constant 0 : i32
        %dma_wait3A_84 = tpu.memref_slice %arg4[%add3A_76, %dma_wait3A, %dma_wait3A_83] : memref<10240x2x128xf32, #tpu.memory_space<hbm>> -> memref<80x2x128xf32, #tpu.memory_space<hbm>>
        %dma_wait3A_85 = arith.constant 0 : i32
        %dma_wait3A_86 = arith.constant 0 : i32
        %dma_wait3A_87 = tpu.memref_slice %arg4[%add3A_76, %dma_wait3A_85, %dma_wait3A_86] : memref<10240x2x128xf32, #tpu.memory_space<hbm>> -> memref<80x2x128xf32, #tpu.memory_space<hbm>>
        tpu.wait_dma2 semaphore(%run_scoped3A : memref<!tpu.dma_semaphore, #tpu.memory_space<semaphore_mem>>) src(%arg7 : memref<80x2x128xf32, #tpu.memory_space<vmem>>) dst(%dma_wait3A_87 : memref<80x2x128xf32, #tpu.memory_space<hbm>>)
        tpu.yield
      }) : () -> ()
    }
    %scan3A_67 = arith.constant 4 : i32
    return
  }
}

module attributes {stable_mosaic.version = 14 : i64} {
  func.func @_edge_mlp_body(%arg0: i32, %arg1: memref<1280x128xf32, #tpu.memory_space<vmem>>, %arg2: memref<128x128xf32, #tpu.memory_space<vmem>>, %arg3: memref<1x128xf32, #tpu.memory_space<vmem>>, %arg4: memref<128x128xf32, #tpu.memory_space<vmem>>, %arg5: memref<1x128xf32, #tpu.memory_space<vmem>>, %arg6: memref<128x128xf32, #tpu.memory_space<vmem>>, %arg7: memref<1x128xf32, #tpu.memory_space<vmem>>, %arg8: memref<128x128xf32, #tpu.memory_space<vmem>>, %arg9: memref<1x128xf32, #tpu.memory_space<vmem>>, %arg10: memref<1x128xf32, #tpu.memory_space<vmem>>, %arg11: memref<1x128xf32, #tpu.memory_space<vmem>>, %arg12: memref<1280x128xf32, #tpu.memory_space<vmem>>) attributes {dimension_semantics = [#tpu.dimension_semantics<arbitrary>], iteration_bounds = array<i64: 250>, scalar_prefetch = 0 : i64, scratch_operands = 0 : i64, tpu.core_type = #tpu.core_type<tc>, window_params = [{transform_indices = @transform_0, window_bounds = array<i64: 1280, 128>}, {pipeline_mode = #tpu.pipeline_mode<synchronous>, transform_indices = @transform_1, window_bounds = array<i64: 128, 128>}, {pipeline_mode = #tpu.pipeline_mode<synchronous>, transform_indices = @transform_2, window_bounds = array<i64: 1, 128>}, {pipeline_mode = #tpu.pipeline_mode<synchronous>, transform_indices = @transform_3, window_bounds = array<i64: 128, 128>}, {pipeline_mode = #tpu.pipeline_mode<synchronous>, transform_indices = @transform_4, window_bounds = array<i64: 1, 128>}, {pipeline_mode = #tpu.pipeline_mode<synchronous>, transform_indices = @transform_5, window_bounds = array<i64: 128, 128>}, {pipeline_mode = #tpu.pipeline_mode<synchronous>, transform_indices = @transform_6, window_bounds = array<i64: 1, 128>}, {pipeline_mode = #tpu.pipeline_mode<synchronous>, transform_indices = @transform_7, window_bounds = array<i64: 128, 128>}, {pipeline_mode = #tpu.pipeline_mode<synchronous>, transform_indices = @transform_8, window_bounds = array<i64: 1, 128>}, {pipeline_mode = #tpu.pipeline_mode<synchronous>, transform_indices = @transform_9, window_bounds = array<i64: 1, 128>}, {pipeline_mode = #tpu.pipeline_mode<synchronous>, transform_indices = @transform_10, window_bounds = array<i64: 1, 128>}, {transform_indices = @transform_11, window_bounds = array<i64: 1280, 128>}]} {
    %get3A = arith.constant 0 : index
    %get3A_0 = arith.constant 0 : index
    %get3A_1 = vector.load %arg1[%get3A, %get3A_0] : memref<1280x128xf32, #tpu.memory_space<vmem>>, vector<1280x128xf32>
    %get3A_2 = arith.constant 0 : index
    %get3A_3 = arith.constant 0 : index
    %get3A_4 = vector.load %arg2[%get3A_2, %get3A_3] : memref<128x128xf32, #tpu.memory_space<vmem>>, vector<128x128xf32>
    %dot_general3A = arith.constant dense<0.000000e+00> : vector<1280x128xf32>
    %dot_general3A_5 = tpu.matmul %get3A_1, %get3A_4, %dot_general3A {dimension_numbers = #tpu.dot_dimension_numbers<[1], [0], [0], [1], [0, 0, 1, 1], [], []>, transpose_lhs_hint = false} : vector<1280x128xf32>, vector<128x128xf32>, vector<1280x128xf32> -> vector<1280x128xf32>
    %get3A_6 = arith.constant 0 : index
    %get3A_7 = arith.constant 0 : index
    %get3A_8 = vector.load %arg3[%get3A_6, %get3A_7] : memref<1x128xf32, #tpu.memory_space<vmem>>, vector<1x128xf32>
    %add3A = vector.broadcast %get3A_8 : vector<1x128xf32> to vector<1280x128xf32>
    %add3A_9 = arith.addf %dot_general3A_5, %add3A : vector<1280x128xf32>
    %max3A = arith.constant 0.000000e+00 : f32
    %max3A_10 = vector.broadcast %max3A : f32 to vector<1280x128xf32>
    %max3A_11 = arith.maximumf %add3A_9, %max3A_10 : vector<1280x128xf32>
    %get3A_12 = arith.constant 0 : index
    %get3A_13 = arith.constant 0 : index
    %get3A_14 = vector.load %arg4[%get3A_12, %get3A_13] : memref<128x128xf32, #tpu.memory_space<vmem>>, vector<128x128xf32>
    %dot_general3A_15 = arith.constant dense<0.000000e+00> : vector<1280x128xf32>
    %dot_general3A_16 = tpu.matmul %max3A_11, %get3A_14, %dot_general3A_15 {dimension_numbers = #tpu.dot_dimension_numbers<[1], [0], [0], [1], [0, 0, 1, 1], [], []>, transpose_lhs_hint = false} : vector<1280x128xf32>, vector<128x128xf32>, vector<1280x128xf32> -> vector<1280x128xf32>
    %get3A_17 = arith.constant 0 : index
    %get3A_18 = arith.constant 0 : index
    %get3A_19 = vector.load %arg5[%get3A_17, %get3A_18] : memref<1x128xf32, #tpu.memory_space<vmem>>, vector<1x128xf32>
    %add3A_20 = vector.broadcast %get3A_19 : vector<1x128xf32> to vector<1280x128xf32>
    %add3A_21 = arith.addf %dot_general3A_16, %add3A_20 : vector<1280x128xf32>
    %max3A_22 = arith.constant 0.000000e+00 : f32
    %max3A_23 = vector.broadcast %max3A_22 : f32 to vector<1280x128xf32>
    %max3A_24 = arith.maximumf %add3A_21, %max3A_23 : vector<1280x128xf32>
    %get3A_25 = arith.constant 0 : index
    %get3A_26 = arith.constant 0 : index
    %get3A_27 = vector.load %arg6[%get3A_25, %get3A_26] : memref<128x128xf32, #tpu.memory_space<vmem>>, vector<128x128xf32>
    %dot_general3A_28 = arith.constant dense<0.000000e+00> : vector<1280x128xf32>
    %dot_general3A_29 = tpu.matmul %max3A_24, %get3A_27, %dot_general3A_28 {dimension_numbers = #tpu.dot_dimension_numbers<[1], [0], [0], [1], [0, 0, 1, 1], [], []>, transpose_lhs_hint = false} : vector<1280x128xf32>, vector<128x128xf32>, vector<1280x128xf32> -> vector<1280x128xf32>
    %get3A_30 = arith.constant 0 : index
    %get3A_31 = arith.constant 0 : index
    %get3A_32 = vector.load %arg7[%get3A_30, %get3A_31] : memref<1x128xf32, #tpu.memory_space<vmem>>, vector<1x128xf32>
    %add3A_33 = vector.broadcast %get3A_32 : vector<1x128xf32> to vector<1280x128xf32>
    %add3A_34 = arith.addf %dot_general3A_29, %add3A_33 : vector<1280x128xf32>
    %max3A_35 = arith.constant 0.000000e+00 : f32
    %max3A_36 = vector.broadcast %max3A_35 : f32 to vector<1280x128xf32>
    %max3A_37 = arith.maximumf %add3A_34, %max3A_36 : vector<1280x128xf32>
    %get3A_38 = arith.constant 0 : index
    %get3A_39 = arith.constant 0 : index
    %get3A_40 = vector.load %arg8[%get3A_38, %get3A_39] : memref<128x128xf32, #tpu.memory_space<vmem>>, vector<128x128xf32>
    %dot_general3A_41 = arith.constant dense<0.000000e+00> : vector<1280x128xf32>
    %dot_general3A_42 = tpu.matmul %max3A_37, %get3A_40, %dot_general3A_41 {dimension_numbers = #tpu.dot_dimension_numbers<[1], [0], [0], [1], [0, 0, 1, 1], [], []>, transpose_lhs_hint = false} : vector<1280x128xf32>, vector<128x128xf32>, vector<1280x128xf32> -> vector<1280x128xf32>
    %get3A_43 = arith.constant 0 : index
    %get3A_44 = arith.constant 0 : index
    %get3A_45 = vector.load %arg9[%get3A_43, %get3A_44] : memref<1x128xf32, #tpu.memory_space<vmem>>, vector<1x128xf32>
    %add3A_46 = vector.broadcast %get3A_45 : vector<1x128xf32> to vector<1280x128xf32>
    %add3A_47 = arith.addf %dot_general3A_42, %add3A_46 : vector<1280x128xf32>
    %reduce_sum3A = arith.constant dense<0.000000e+00> : vector<1280xf32>
    %reduce_sum3A_48 = vector.multi_reduction <add>, %add3A_47, %reduce_sum3A [1] : vector<1280x128xf32> to vector<1280xf32>
    %broadcast_in_dim3A = vector.shape_cast %reduce_sum3A_48 : vector<1280xf32> to vector<1280x1xf32>
    %div3A = arith.constant 1.280000e+02 : f32
    %div3A_49 = vector.broadcast %div3A : f32 to vector<1280x1xf32>
    %div3A_50 = arith.divf %broadcast_in_dim3A, %div3A_49 : vector<1280x1xf32>
    %sub3A = vector.broadcast %div3A_50 : vector<1280x1xf32> to vector<1280x128xf32>
    %sub3A_51 = arith.subf %add3A_47, %sub3A : vector<1280x128xf32>
    %integer_pow3A = arith.mulf %sub3A_51, %sub3A_51 : vector<1280x128xf32>
    %reduce_sum3A_52 = arith.constant dense<0.000000e+00> : vector<1280xf32>
    %reduce_sum3A_53 = vector.multi_reduction <add>, %integer_pow3A, %reduce_sum3A_52 [1] : vector<1280x128xf32> to vector<1280xf32>
    %broadcast_in_dim3A_54 = vector.shape_cast %reduce_sum3A_53 : vector<1280xf32> to vector<1280x1xf32>
    %div3A_55 = arith.constant 1.280000e+02 : f32
    %div3A_56 = vector.broadcast %div3A_55 : f32 to vector<1280x1xf32>
    %div3A_57 = arith.divf %broadcast_in_dim3A_54, %div3A_56 : vector<1280x1xf32>
    %sub3A_58 = vector.broadcast %div3A_50 : vector<1280x1xf32> to vector<1280x128xf32>
    %sub3A_59 = arith.subf %add3A_47, %sub3A_58 : vector<1280x128xf32>
    %add3A_60 = arith.constant 9.99999974E-6 : f32
    %add3A_61 = vector.broadcast %add3A_60 : f32 to vector<1280x1xf32>
    %add3A_62 = arith.addf %div3A_57, %add3A_61 : vector<1280x1xf32>
    %rsqrt3A = math.rsqrt %add3A_62 : vector<1280x1xf32>
    %mul3A = vector.broadcast %rsqrt3A : vector<1280x1xf32> to vector<1280x128xf32>
    %mul3A_63 = arith.mulf %sub3A_59, %mul3A : vector<1280x128xf32>
    %get3A_64 = arith.constant 0 : index
    %get3A_65 = arith.constant 0 : index
    %get3A_66 = vector.load %arg10[%get3A_64, %get3A_65] : memref<1x128xf32, #tpu.memory_space<vmem>>, vector<1x128xf32>
    %mul3A_67 = vector.broadcast %get3A_66 : vector<1x128xf32> to vector<1280x128xf32>
    %mul3A_68 = arith.mulf %mul3A_63, %mul3A_67 : vector<1280x128xf32>
    %get3A_69 = arith.constant 0 : index
    %get3A_70 = arith.constant 0 : index
    %get3A_71 = vector.load %arg11[%get3A_69, %get3A_70] : memref<1x128xf32, #tpu.memory_space<vmem>>, vector<1x128xf32>
    %add3A_72 = vector.broadcast %get3A_71 : vector<1x128xf32> to vector<1280x128xf32>
    %add3A_73 = arith.addf %mul3A_68, %add3A_72 : vector<1280x128xf32>
    %add3A_74 = arith.addf %get3A_1, %add3A_73 : vector<1280x128xf32>
    %swap3A = arith.constant 0 : index
    %swap3A_75 = arith.constant 0 : index
    %swap3A_76 = vector.load %arg12[%swap3A, %swap3A_75] : memref<1280x128xf32, #tpu.memory_space<vmem>>, vector<1280x128xf32>
    tpu.vector_store %arg12[%swap3A, %swap3A_75], %add3A_74 {strides = array<i32>} : memref<1280x128xf32, #tpu.memory_space<vmem>>, vector<1280x128xf32>,
    return
  }
  func.func @transform_0(%arg0: i32) -> (i32, i32) {
    %c0_i32 = arith.constant 0 : i32
    %c0_i32_0 = arith.constant 0 : i32
    return %arg0, %c0_i32 : i32, i32
  }
  func.func @transform_1(%arg0: i32) -> (i32, i32) {
    %c0_i32 = arith.constant 0 : i32
    %c0_i32_0 = arith.constant 0 : i32
    %c0_i32_1 = arith.constant 0 : i32
    return %c0_i32, %c0_i32_0 : i32, i32
  }
  func.func @transform_2(%arg0: i32) -> (i32, i32) {
    %c0_i32 = arith.constant 0 : i32
    %c0_i32_0 = arith.constant 0 : i32
    %c0_i32_1 = arith.constant 0 : i32
    return %c0_i32, %c0_i32_0 : i32, i32
  }
  func.func @transform_3(%arg0: i32) -> (i32, i32) {
    %c0_i32 = arith.constant 0 : i32
    %c0_i32_0 = arith.constant 0 : i32
    %c0_i32_1 = arith.constant 0 : i32
    return %c0_i32, %c0_i32_0 : i32, i32
  }
  func.func @transform_4(%arg0: i32) -> (i32, i32) {
    %c0_i32 = arith.constant 0 : i32
    %c0_i32_0 = arith.constant 0 : i32
    %c0_i32_1 = arith.constant 0 : i32
    return %c0_i32, %c0_i32_0 : i32, i32
  }
  func.func @transform_5(%arg0: i32) -> (i32, i32) {
    %c0_i32 = arith.constant 0 : i32
    %c0_i32_0 = arith.constant 0 : i32
    %c0_i32_1 = arith.constant 0 : i32
    return %c0_i32, %c0_i32_0 : i32, i32
  }
  func.func @transform_6(%arg0: i32) -> (i32, i32) {
    %c0_i32 = arith.constant 0 : i32
    %c0_i32_0 = arith.constant 0 : i32
    %c0_i32_1 = arith.constant 0 : i32
    return %c0_i32, %c0_i32_0 : i32, i32
  }
  func.func @transform_7(%arg0: i32) -> (i32, i32) {
    %c0_i32 = arith.constant 0 : i32
    %c0_i32_0 = arith.constant 0 : i32
    %c0_i32_1 = arith.constant 0 : i32
    return %c0_i32, %c0_i32_0 : i32, i32
  }
  func.func @transform_8(%arg0: i32) -> (i32, i32) {
    %c0_i32 = arith.constant 0 : i32
    %c0_i32_0 = arith.constant 0 : i32
    %c0_i32_1 = arith.constant 0 : i32
    return %c0_i32, %c0_i32_0 : i32, i32
  }
  func.func @transform_9(%arg0: i32) -> (i32, i32) {
    %c0_i32 = arith.constant 0 : i32
    %c0_i32_0 = arith.constant 0 : i32
    %c0_i32_1 = arith.constant 0 : i32
    return %c0_i32, %c0_i32_0 : i32, i32
  }
  func.func @transform_10(%arg0: i32) -> (i32, i32) {
    %c0_i32 = arith.constant 0 : i32
    %c0_i32_0 = arith.constant 0 : i32
    %c0_i32_1 = arith.constant 0 : i32
    return %c0_i32, %c0_i32_0 : i32, i32
  }
  func.func @transform_11(%arg0: i32) -> (i32, i32) {
    %c0_i32 = arith.constant 0 : i32
    %c0_i32_0 = arith.constant 0 : i32
    return %arg0, %c0_i32 : i32, i32
  }
}

module attributes {stable_mosaic.version = 14 : i64} {
  func.func @_node_mlp_body(%arg0: i32, %arg1: memref<1000x128xf32, #tpu.memory_space<vmem>>, %arg2: memref<1000x2x128xf32, #tpu.memory_space<vmem>>, %arg3: memref<128x128xf32, #tpu.memory_space<vmem>>, %arg4: memref<128x128xf32, #tpu.memory_space<vmem>>, %arg5: memref<1x128xf32, #tpu.memory_space<vmem>>, %arg6: memref<128x128xf32, #tpu.memory_space<vmem>>, %arg7: memref<1x128xf32, #tpu.memory_space<vmem>>, %arg8: memref<128x128xf32, #tpu.memory_space<vmem>>, %arg9: memref<1x128xf32, #tpu.memory_space<vmem>>, %arg10: memref<128x128xf32, #tpu.memory_space<vmem>>, %arg11: memref<1x128xf32, #tpu.memory_space<vmem>>, %arg12: memref<1x128xf32, #tpu.memory_space<vmem>>, %arg13: memref<1x128xf32, #tpu.memory_space<vmem>>, %arg14: memref<1000x128xf32, #tpu.memory_space<vmem>>) attributes {dimension_semantics = [#tpu.dimension_semantics<arbitrary>], iteration_bounds = array<i64: 10>, scalar_prefetch = 0 : i64, scratch_operands = 0 : i64, tpu.core_type = #tpu.core_type<tc>, window_params = [{transform_indices = @transform_0, window_bounds = array<i64: 1000, 128>}, {transform_indices = @transform_1, window_bounds = array<i64: 1000, 2, 128>}, {pipeline_mode = #tpu.pipeline_mode<synchronous>, transform_indices = @transform_2, window_bounds = array<i64: 128, 128>}, {pipeline_mode = #tpu.pipeline_mode<synchronous>, transform_indices = @transform_3, window_bounds = array<i64: 128, 128>}, {pipeline_mode = #tpu.pipeline_mode<synchronous>, transform_indices = @transform_4, window_bounds = array<i64: 1, 128>}, {pipeline_mode = #tpu.pipeline_mode<synchronous>, transform_indices = @transform_5, window_bounds = array<i64: 128, 128>}, {pipeline_mode = #tpu.pipeline_mode<synchronous>, transform_indices = @transform_6, window_bounds = array<i64: 1, 128>}, {pipeline_mode = #tpu.pipeline_mode<synchronous>, transform_indices = @transform_7, window_bounds = array<i64: 128, 128>}, {pipeline_mode = #tpu.pipeline_mode<synchronous>, transform_indices = @transform_8, window_bounds = array<i64: 1, 128>}, {pipeline_mode = #tpu.pipeline_mode<synchronous>, transform_indices = @transform_9, window_bounds = array<i64: 128, 128>}, {pipeline_mode = #tpu.pipeline_mode<synchronous>, transform_indices = @transform_10, window_bounds = array<i64: 1, 128>}, {pipeline_mode = #tpu.pipeline_mode<synchronous>, transform_indices = @transform_11, window_bounds = array<i64: 1, 128>}, {pipeline_mode = #tpu.pipeline_mode<synchronous>, transform_indices = @transform_12, window_bounds = array<i64: 1, 128>}, {transform_indices = @transform_13, window_bounds = array<i64: 1000, 128>}]} {
    %get3A = arith.constant 0 : index
    %get3A_0 = arith.constant 0 : index
    %get3A_1 = vector.load %arg1[%get3A, %get3A_0] : memref<1000x128xf32, #tpu.memory_space<vmem>>, vector<1000x128xf32>
    %get3A_2 = arith.constant 0 : index
    %get3A_3 = arith.constant 0 : index
    %get3A_4 = arith.constant 0 : index
    %get3A_5 = vector.load %arg2[%get3A_2, %get3A_3, %get3A_4] : memref<1000x2x128xf32, #tpu.memory_space<vmem>>, vector<1000x2x128xf32>
    %slice3A = vector.extract_strided_slice %get3A_5 {offsets = [0, 1, 0], sizes = [1000, 1, 1], strides = [1, 1, 1]} : vector<1000x2x128xf32> to vector<1000x1x1xf32>
    %squeeze3A = vector.shape_cast %slice3A : vector<1000x1x1xf32> to vector<1000x1xf32>
    %max3A = arith.constant 1.000000e+00 : f32
    %max3A_6 = vector.broadcast %max3A : f32 to vector<1000x1xf32>
    %max3A_7 = arith.maximumf %squeeze3A, %max3A_6 : vector<1000x1xf32>
    %slice3A_8 = vector.extract_strided_slice %get3A_5 {offsets = [0, 0, 0], sizes = [1000, 1, 128], strides = [1, 1, 1]} : vector<1000x2x128xf32> to vector<1000x1x128xf32>
    %squeeze3A_9 = vector.shape_cast %slice3A_8 : vector<1000x1x128xf32> to vector<1000x128xf32>
    %div3A = vector.broadcast %max3A_7 : vector<1000x1xf32> to vector<1000x128xf32>
    %div3A_10 = arith.divf %squeeze3A_9, %div3A : vector<1000x128xf32>
    %get3A_11 = arith.constant 0 : index
    %get3A_12 = arith.constant 0 : index
    %get3A_13 = vector.load %arg3[%get3A_11, %get3A_12] : memref<128x128xf32, #tpu.memory_space<vmem>>, vector<128x128xf32>
    %dot_general3A = arith.constant dense<0.000000e+00> : vector<1000x128xf32>
    %dot_general3A_14 = tpu.matmul %get3A_1, %get3A_13, %dot_general3A {dimension_numbers = #tpu.dot_dimension_numbers<[1], [0], [0], [1], [0, 0, 1, 1], [], []>, transpose_lhs_hint = false} : vector<1000x128xf32>, vector<128x128xf32>, vector<1000x128xf32> -> vector<1000x128xf32>
    %get3A_15 = arith.constant 0 : index
    %get3A_16 = arith.constant 0 : index
    %get3A_17 = vector.load %arg4[%get3A_15, %get3A_16] : memref<128x128xf32, #tpu.memory_space<vmem>>, vector<128x128xf32>
    %dot_general3A_18 = arith.constant dense<0.000000e+00> : vector<1000x128xf32>
    %dot_general3A_19 = tpu.matmul %div3A_10, %get3A_17, %dot_general3A_18 {dimension_numbers = #tpu.dot_dimension_numbers<[1], [0], [0], [1], [0, 0, 1, 1], [], []>, transpose_lhs_hint = false} : vector<1000x128xf32>, vector<128x128xf32>, vector<1000x128xf32> -> vector<1000x128xf32>
    %add3A = arith.addf %dot_general3A_14, %dot_general3A_19 : vector<1000x128xf32>
    %get3A_20 = arith.constant 0 : index
    %get3A_21 = arith.constant 0 : index
    %get3A_22 = vector.load %arg5[%get3A_20, %get3A_21] : memref<1x128xf32, #tpu.memory_space<vmem>>, vector<1x128xf32>
    %add3A_23 = vector.broadcast %get3A_22 : vector<1x128xf32> to vector<1000x128xf32>
    %add3A_24 = arith.addf %add3A, %add3A_23 : vector<1000x128xf32>
    %max3A_25 = arith.constant 0.000000e+00 : f32
    %max3A_26 = vector.broadcast %max3A_25 : f32 to vector<1000x128xf32>
    %max3A_27 = arith.maximumf %add3A_24, %max3A_26 : vector<1000x128xf32>
    %get3A_28 = arith.constant 0 : index
    %get3A_29 = arith.constant 0 : index
    %get3A_30 = vector.load %arg6[%get3A_28, %get3A_29] : memref<128x128xf32, #tpu.memory_space<vmem>>, vector<128x128xf32>
    %dot_general3A_31 = arith.constant dense<0.000000e+00> : vector<1000x128xf32>
    %dot_general3A_32 = tpu.matmul %max3A_27, %get3A_30, %dot_general3A_31 {dimension_numbers = #tpu.dot_dimension_numbers<[1], [0], [0], [1], [0, 0, 1, 1], [], []>, transpose_lhs_hint = false} : vector<1000x128xf32>, vector<128x128xf32>, vector<1000x128xf32> -> vector<1000x128xf32>
    %get3A_33 = arith.constant 0 : index
    %get3A_34 = arith.constant 0 : index
    %get3A_35 = vector.load %arg7[%get3A_33, %get3A_34] : memref<1x128xf32, #tpu.memory_space<vmem>>, vector<1x128xf32>
    %add3A_36 = vector.broadcast %get3A_35 : vector<1x128xf32> to vector<1000x128xf32>
    %add3A_37 = arith.addf %dot_general3A_32, %add3A_36 : vector<1000x128xf32>
    %max3A_38 = arith.constant 0.000000e+00 : f32
    %max3A_39 = vector.broadcast %max3A_38 : f32 to vector<1000x128xf32>
    %max3A_40 = arith.maximumf %add3A_37, %max3A_39 : vector<1000x128xf32>
    %get3A_41 = arith.constant 0 : index
    %get3A_42 = arith.constant 0 : index
    %get3A_43 = vector.load %arg8[%get3A_41, %get3A_42] : memref<128x128xf32, #tpu.memory_space<vmem>>, vector<128x128xf32>
    %dot_general3A_44 = arith.constant dense<0.000000e+00> : vector<1000x128xf32>
    %dot_general3A_45 = tpu.matmul %max3A_40, %get3A_43, %dot_general3A_44 {dimension_numbers = #tpu.dot_dimension_numbers<[1], [0], [0], [1], [0, 0, 1, 1], [], []>, transpose_lhs_hint = false} : vector<1000x128xf32>, vector<128x128xf32>, vector<1000x128xf32> -> vector<1000x128xf32>
    %get3A_46 = arith.constant 0 : index
    %get3A_47 = arith.constant 0 : index
    %get3A_48 = vector.load %arg9[%get3A_46, %get3A_47] : memref<1x128xf32, #tpu.memory_space<vmem>>, vector<1x128xf32>
    %add3A_49 = vector.broadcast %get3A_48 : vector<1x128xf32> to vector<1000x128xf32>
    %add3A_50 = arith.addf %dot_general3A_45, %add3A_49 : vector<1000x128xf32>
    %max3A_51 = arith.constant 0.000000e+00 : f32
    %max3A_52 = vector.broadcast %max3A_51 : f32 to vector<1000x128xf32>
    %max3A_53 = arith.maximumf %add3A_50, %max3A_52 : vector<1000x128xf32>
    %get3A_54 = arith.constant 0 : index
    %get3A_55 = arith.constant 0 : index
    %get3A_56 = vector.load %arg10[%get3A_54, %get3A_55] : memref<128x128xf32, #tpu.memory_space<vmem>>, vector<128x128xf32>
    %dot_general3A_57 = arith.constant dense<0.000000e+00> : vector<1000x128xf32>
    %dot_general3A_58 = tpu.matmul %max3A_53, %get3A_56, %dot_general3A_57 {dimension_numbers = #tpu.dot_dimension_numbers<[1], [0], [0], [1], [0, 0, 1, 1], [], []>, transpose_lhs_hint = false} : vector<1000x128xf32>, vector<128x128xf32>, vector<1000x128xf32> -> vector<1000x128xf32>
    %get3A_59 = arith.constant 0 : index
    %get3A_60 = arith.constant 0 : index
    %get3A_61 = vector.load %arg11[%get3A_59, %get3A_60] : memref<1x128xf32, #tpu.memory_space<vmem>>, vector<1x128xf32>
    %add3A_62 = vector.broadcast %get3A_61 : vector<1x128xf32> to vector<1000x128xf32>
    %add3A_63 = arith.addf %dot_general3A_58, %add3A_62 : vector<1000x128xf32>
    %reduce_sum3A = arith.constant dense<0.000000e+00> : vector<1000xf32>
    %reduce_sum3A_64 = vector.multi_reduction <add>, %add3A_63, %reduce_sum3A [1] : vector<1000x128xf32> to vector<1000xf32>
    %broadcast_in_dim3A = vector.shape_cast %reduce_sum3A_64 : vector<1000xf32> to vector<1000x1xf32>
    %div3A_65 = arith.constant 1.280000e+02 : f32
    %div3A_66 = vector.broadcast %div3A_65 : f32 to vector<1000x1xf32>
    %div3A_67 = arith.divf %broadcast_in_dim3A, %div3A_66 : vector<1000x1xf32>
    %sub3A = vector.broadcast %div3A_67 : vector<1000x1xf32> to vector<1000x128xf32>
    %sub3A_68 = arith.subf %add3A_63, %sub3A : vector<1000x128xf32>
    %integer_pow3A = arith.mulf %sub3A_68, %sub3A_68 : vector<1000x128xf32>
    %reduce_sum3A_69 = arith.constant dense<0.000000e+00> : vector<1000xf32>
    %reduce_sum3A_70 = vector.multi_reduction <add>, %integer_pow3A, %reduce_sum3A_69 [1] : vector<1000x128xf32> to vector<1000xf32>
    %broadcast_in_dim3A_71 = vector.shape_cast %reduce_sum3A_70 : vector<1000xf32> to vector<1000x1xf32>
    %div3A_72 = arith.constant 1.280000e+02 : f32
    %div3A_73 = vector.broadcast %div3A_72 : f32 to vector<1000x1xf32>
    %div3A_74 = arith.divf %broadcast_in_dim3A_71, %div3A_73 : vector<1000x1xf32>
    %sub3A_75 = vector.broadcast %div3A_67 : vector<1000x1xf32> to vector<1000x128xf32>
    %sub3A_76 = arith.subf %add3A_63, %sub3A_75 : vector<1000x128xf32>
    %add3A_77 = arith.constant 9.99999974E-6 : f32
    %add3A_78 = vector.broadcast %add3A_77 : f32 to vector<1000x1xf32>
    %add3A_79 = arith.addf %div3A_74, %add3A_78 : vector<1000x1xf32>
    %rsqrt3A = math.rsqrt %add3A_79 : vector<1000x1xf32>
    %mul3A = vector.broadcast %rsqrt3A : vector<1000x1xf32> to vector<1000x128xf32>
    %mul3A_80 = arith.mulf %sub3A_76, %mul3A : vector<1000x128xf32>
    %get3A_81 = arith.constant 0 : index
    %get3A_82 = arith.constant 0 : index
    %get3A_83 = vector.load %arg12[%get3A_81, %get3A_82] : memref<1x128xf32, #tpu.memory_space<vmem>>, vector<1x128xf32>
    %mul3A_84 = vector.broadcast %get3A_83 : vector<1x128xf32> to vector<1000x128xf32>
    %mul3A_85 = arith.mulf %mul3A_80, %mul3A_84 : vector<1000x128xf32>
    %get3A_86 = arith.constant 0 : index
    %get3A_87 = arith.constant 0 : index
    %get3A_88 = vector.load %arg13[%get3A_86, %get3A_87] : memref<1x128xf32, #tpu.memory_space<vmem>>, vector<1x128xf32>
    %add3A_89 = vector.broadcast %get3A_88 : vector<1x128xf32> to vector<1000x128xf32>
    %add3A_90 = arith.addf %mul3A_85, %add3A_89 : vector<1000x128xf32>
    %add3A_91 = arith.addf %get3A_1, %add3A_90 : vector<1000x128xf32>
    %swap3A = arith.constant 0 : index
    %swap3A_92 = arith.constant 0 : index
    %swap3A_93 = vector.load %arg14[%swap3A, %swap3A_92] : memref<1000x128xf32, #tpu.memory_space<vmem>>, vector<1000x128xf32>
    tpu.vector_store %arg14[%swap3A, %swap3A_92], %add3A_91 {strides = array<i32>} : memref<1000x128xf32, #tpu.memory_space<vmem>>, vector<1000x128xf32>,
    return
  }
  func.func @transform_0(%arg0: i32) -> (i32, i32) {
    %c0_i32 = arith.constant 0 : i32
    %c0_i32_0 = arith.constant 0 : i32
    return %arg0, %c0_i32 : i32, i32
  }
  func.func @transform_1(%arg0: i32) -> (i32, i32, i32) {
    %c0_i32 = arith.constant 0 : i32
    %c0_i32_0 = arith.constant 0 : i32
    %c0_i32_1 = arith.constant 0 : i32
    return %arg0, %c0_i32, %c0_i32_0 : i32, i32, i32
  }
  func.func @transform_2(%arg0: i32) -> (i32, i32) {
    %c0_i32 = arith.constant 0 : i32
    %c0_i32_0 = arith.constant 0 : i32
    %c0_i32_1 = arith.constant 0 : i32
    return %c0_i32, %c0_i32_0 : i32, i32
  }
  func.func @transform_3(%arg0: i32) -> (i32, i32) {
    %c0_i32 = arith.constant 0 : i32
    %c0_i32_0 = arith.constant 0 : i32
    %c0_i32_1 = arith.constant 0 : i32
    return %c0_i32, %c0_i32_0 : i32, i32
  }
  func.func @transform_4(%arg0: i32) -> (i32, i32) {
    %c0_i32 = arith.constant 0 : i32
    %c0_i32_0 = arith.constant 0 : i32
    %c0_i32_1 = arith.constant 0 : i32
    return %c0_i32, %c0_i32_0 : i32, i32
  }
  func.func @transform_5(%arg0: i32) -> (i32, i32) {
    %c0_i32 = arith.constant 0 : i32
    %c0_i32_0 = arith.constant 0 : i32
    %c0_i32_1 = arith.constant 0 : i32
    return %c0_i32, %c0_i32_0 : i32, i32
  }
  func.func @transform_6(%arg0: i32) -> (i32, i32) {
    %c0_i32 = arith.constant 0 : i32
    %c0_i32_0 = arith.constant 0 : i32
    %c0_i32_1 = arith.constant 0 : i32
    return %c0_i32, %c0_i32_0 : i32, i32
  }
  func.func @transform_7(%arg0: i32) -> (i32, i32) {
    %c0_i32 = arith.constant 0 : i32
    %c0_i32_0 = arith.constant 0 : i32
    %c0_i32_1 = arith.constant 0 : i32
    return %c0_i32, %c0_i32_0 : i32, i32
  }
  func.func @transform_8(%arg0: i32) -> (i32, i32) {
    %c0_i32 = arith.constant 0 : i32
    %c0_i32_0 = arith.constant 0 : i32
    %c0_i32_1 = arith.constant 0 : i32
    return %c0_i32, %c0_i32_0 : i32, i32
  }
  func.func @transform_9(%arg0: i32) -> (i32, i32) {
    %c0_i32 = arith.constant 0 : i32
    %c0_i32_0 = arith.constant 0 : i32
    %c0_i32_1 = arith.constant 0 : i32
    return %c0_i32, %c0_i32_0 : i32, i32
  }
  func.func @transform_10(%arg0: i32) -> (i32, i32) {
    %c0_i32 = arith.constant 0 : i32
    %c0_i32_0 = arith.constant 0 : i32
    %c0_i32_1 = arith.constant 0 : i32
    return %c0_i32, %c0_i32_0 : i32, i32
  }
  func.func @transform_11(%arg0: i32) -> (i32, i32) {
    %c0_i32 = arith.constant 0 : i32
    %c0_i32_0 = arith.constant 0 : i32
    %c0_i32_1 = arith.constant 0 : i32
    return %c0_i32, %c0_i32_0 : i32, i32
  }
  func.func @transform_12(%arg0: i32) -> (i32, i32) {
    %c0_i32 = arith.constant 0 : i32
    %c0_i32_0 = arith.constant 0 : i32
    %c0_i32_1 = arith.constant 0 : i32
    return %c0_i32, %c0_i32_0 : i32, i32
  }
  func.func @transform_13(%arg0: i32) -> (i32, i32) {
    %c0_i32 = arith.constant 0 : i32
    %c0_i32_0 = arith.constant 0 : i32
    return %arg0, %c0_i32 : i32, i32
  }
}

</mosaic_0001>

<sc_bundles>
// kernel: kernel.5.cloned.1.call-start
scs
__scs_entry_jumppad:
0x0: {  	(pc) =	sbr.rel $0x88, $3  }
0x1: {  	(tag) =	ssettag $0x0;
	lr =	simm.s32 $0x1  }
0x2: {  	[smem:$0x3F8A] =	sst lr;
	_ =	strace $0xD0000000  }
0x3: {  	_ = 	snop  }
0x4: {  	_ = 	snop  }
0x5: {  	_ = 	snop  }
0x6: {  	_ = 	snop  }
0x7: {  	_ = 	snop  }
__scs_overlays_trampoline_lowered:
0x8: {  	[smem:$0x3F99] =	sst s0  }
0x9: {  	[smem:$0x3F9A] =	sst s1  }
0xa: {  	[smem:$0x3F9B] =	sst s2  }
0xb: {  	[smem:$0x3F9C] =	sst s3  }
0xc: {  	[smem:$0x3F9D] =	sst s4  }
0xd: {  	[smem:$0x3F9E] =	sst s5  }
0xe: {  	[smem:$0x3F9F] =	sst s6  }
0xf: {  	[smem:$0x3FA0] =	sst s7  }
0x10: {  	[smem:$0x3FA1] =	sst s8  }
0x11: {  	[smem:$0x3FA2] =	sst s9;
	s0 =	simm.s32 @!p0 $0x0  }
0x12: {  	s1 =	sld [smem:$0x3F88];
	s0 =	simm.s32 @p0 $0x1  }
0x13: {  	[smem:$0x3FA3] =	sst s0;
	s0 =	simm.s32 @!p1 $0x0  }
0x14: {  	s2 =	sld [smem:$0x3F87];
	s0 =	simm.s32 @p1 $0x1  }
0x15: {  	[smem:$0x3FA4] =	sst s0;
	s0 =	simm.s32 @!p2 $0x0  }
0x16: {  	s3 =	sld [smem:$0x3FDB];
	s0 =	simm.s32 @p2 $0x1  }
0x17: {  	s4 =	simm.s32 $0x1BF5;
	[smem:$0x3FA6] =	sst s0  }
0x18: {  	s0 =	sld [smem:$0x3F89];
	_ =	swait.ge [sflag:s4], $0x0  }
0x19: {  	s7 =	sld [smem:$0x3F8A]  }
0x1a: {  	s8 =	sadd.s32 $0xFFFFE003, lr  }
0x1b: {  	s9 =	sadd.s32 $0xFFFFFEF7, lr;
	s5 =	simm.s32 $0xFFFFFFFF;
	p2 =	slt.u32 s8, $0xFFFFF086  }
0x1c: {  	p1 =	slt.u32 s9, $0xF7A;
	s5 =	simm.s32 @!p2 $0x0  }
0x1d: {  	s5 =	simm.s32 @p1 $0x1;
	p0 =	seq.s32 s7, s2  }
0x1e: {  	s7 =	smul.u32 @!p0 $0xF7A, s2;
	p2 =	seq.s32 @!p0 s5, $0x0  }
0x1f: {  	s9 =	smul.u32 $0xF7A, s1;
	s8 =	simm.s32 @!p0 $0x1BF5;
	p2 =	por !p2, p0  }
0x20: {  	[sflag:s8] =	ssyncset.s32 @!p0 $0xFFFFF086;
	s6 =	sadd.s32 @!p0 s3, s7;
	s7 =	simm.s32 @!p0 $0x108  }
0x21: {  	s3 =	sadd.s32 s3, s9;
	s6 =	sadd.s32 @!p0 $0x88, s6;
	s7 =	simm.s32 @p2 $0x1082  }
0x22: {  	[simem:s7], [sflag:s8] =	dma.local @!p0 [hbm:s6], $0xF7A  }
0x23: {  	s9 =	sor.u32 $0xD0000000, s2;
	s6 =	simm.s32 $0x108;
	_ =	swait.ge @!p0 [sflag:s8], $0x0  }
0x24: {  	s3 =	sadd.s32 $0x88, s3;
	s6 =	simm.s32 @!p1 $0x1082;
	[sflag:s4] =	ssyncset.s32 $0xFFFFF086  }
0x25: {  	[simem:s6], [sflag:s4] =	dma.local [hbm:s3], $0xF7A  }
0x26: {  	[smem:$0x3F8A] =	sst s1;
	(tag) =	ssettag s2;
	_ =	strace s9  }
0x27: {  	s1 =	sld [smem:$0x3F9A]  }
0x28: {  	s2 =	sld [smem:$0x3F9B]  }
0x29: {  	s4 =	sld [smem:$0x3F9D]  }
0x2a: {  	p0 =	seq.s32 s5, $0x0;
	s5 =	sld [smem:$0x3F9E]  }
0x2b: {  	s6 =	sld [smem:$0x3F9F]  }
0x2c: {  	s7 =	sld [smem:$0x3FA0]  }
0x2d: {  	s3 =	simm.s32 $0x108;
	s8 =	sld [smem:$0x3FA1]  }
0x2e: {  	s3 =	simm.s32 @!p0 $0x1082;
	s9 =	sld [smem:$0x3FA2]  }
0x2f: {  	lr =	sadd.s32 s0, s3;
	s0 =	sld [smem:$0x3F99]  }
0x30: {  	s3 =	sld [smem:$0x3F9C]  }
0x31: {  	[smem:$0x3FA5] =	sst s10  }
0x32: {  	s10 =	sld [smem:$0x3FA3];
	_ =	sdelay $0x3  }
0x33: {  	p0 =	seq.s32 s10, $0x1;
	s10 =	sld [smem:$0x3FA5];
	_ =	sdelay $0x3  }
0x34: {  	[smem:$0x3FA5] =	sst s10  }
0x35: {  	s10 =	sld [smem:$0x3FA4];
	_ =	sdelay $0x3  }
0x36: {  	p1 =	seq.s32 s10, $0x1;
	s10 =	sld [smem:$0x3FA5];
	_ =	sdelay $0x3  }
0x37: {  	[smem:$0x3FA5] =	sst s10  }
0x38: {  	s10 =	sld [smem:$0x3FA6]  }
0x39: {  	_ = 	snop;
	(pc) =	sbr.ind lr, $3  }
0x3a: {  	_ = 	snop  }
0x3b: {  	_ = 	snop  }
0x3c: {  	p2 =	seq.s32 s10, $0x1;
	s10 =	sld [smem:$0x3FA5]  }
0x3d: {  	_ =	shalt  }
0x3e: {  	_ =	shalt  }
0x3f: {  	_ =	shalt  }
0x40: {  	_ =	shalt  }
0x41: {  	_ =	shalt  }
0x42: {  	_ =	shalt  }
0x43: {  	_ =	shalt  }
0x44: {  	_ =	shalt  }
0x45: {  	_ =	shalt  }
0x46: {  	_ =	shalt  }
0x47: {  	_ =	shalt  }
0x48: {  	_ =	shalt  }
0x49: {  	_ =	shalt  }
0x4a: {  	_ =	shalt  }
0x4b: {  	_ =	shalt  }
0x4c: {  	_ =	shalt  }
0x4d: {  	_ =	shalt  }
0x4e: {  	_ =	shalt  }
0x4f: {  	_ =	shalt  }
0x50: {  	_ =	shalt  }
0x51: {  	_ =	shalt  }
0x52: {  	_ =	shalt  }
0x53: {  	_ =	shalt  }
0x54: {  	_ =	shalt  }
0x55: {  	_ =	shalt  }
0x56: {  	_ =	shalt  }
0x57: {  	_ =	shalt  }
0x58: {  	_ =	shalt  }
0x59: {  	_ =	shalt  }
0x5a: {  	_ =	shalt  }
0x5b: {  	_ =	shalt  }
0x5c: {  	_ =	shalt  }
0x5d: {  	_ =	shalt  }
0x5e: {  	_ =	shalt  }
0x5f: {  	_ =	shalt  }
0x60: {  	_ =	shalt  }
0x61: {  	_ =	shalt  }
0x62: {  	_ =	shalt  }
0x63: {  	_ =	shalt  }
0x64: {  	_ =	shalt  }
0x65: {  	_ =	shalt  }
0x66: {  	_ =	shalt  }
0x67: {  	_ =	shalt  }
0x68: {  	_ =	shalt  }
0x69: {  	_ =	shalt  }
0x6a: {  	_ =	shalt  }
0x6b: {  	_ =	shalt  }
0x6c: {  	_ =	shalt  }
0x6d: {  	_ =	shalt  }
0x6e: {  	_ =	shalt  }
0x6f: {  	_ =	shalt  }
0x70: {  	_ =	shalt  }
0x71: {  	_ =	shalt  }
0x72: {  	_ =	shalt  }
0x73: {  	_ =	shalt  }
0x74: {  	_ =	shalt  }
0x75: {  	_ =	shalt  }
0x76: {  	_ =	shalt  }
0x77: {  	_ =	shalt  }
0x78: {  	_ =	shalt  }
0x79: {  	_ =	shalt  }
0x7a: {  	_ =	shalt  }
0x7b: {  	_ =	shalt  }
0x7c: {  	_ =	shalt  }
0x7d: {  	_ =	shalt  }
0x7e: {  	_ =	shalt  }
0x7f: {  	_ =	shalt  }
0x80: {  	_ =	shalt  }
0x81: {  	_ =	shalt  }
0x82: {  	_ =	shalt  }
0x83: {  	_ =	shalt  }
0x84: {  	_ =	shalt  }
0x85: {  	_ =	shalt  }
0x86: {  	_ =	shalt  }
0x87: {  	_ =	shalt  }
.Lfunc_end0:
.L_simem_size_0:
called_computation_lowered:
.L_overlay_start_0:
0x88: {  	s2 =	sld [smem:$0x3FD9]  }
0x89: {  	s3 =	sld [smem:$0x3FFE];
	_ =	sdelay $0x1  }
0x8a: {  	s1 =	srdreg.scid  }
0x8b: {  	s0 =	sand.u32 $0x1, s1  }
0x8c: {  	s14 =	sshll.u32 s0, $0xA;
	s2 =	sadd.s32 s3, s2  }
0x8d: {  	s2 =	sadd.s32 s2, s14  }
0x8e: {  	[smem:$0x3FB1] =	sst s2  }
0x8f: {  	_ = 	snop  }
0x90: {  	s2 =	sld [smem:$0x3FD0];
	_ =	sdelay $0x2  }
0x91: {  	s15 =	simm.s32 $0xA;
	s4 =	simm.s32 $0x10  }
0x92: {  	[smem:s4], [sflag:s15] =	dma.local [hbm:s2], $0x1  }
0x93: {  	_ =	swait.eq [sflag:s15], $0x1  }
0x94: {  	[sflag:s15] =	ssyncset.done $0x0  }
0x95: {  	s16 =	sld [smem:$0x10];
	[sflag:s15] =	ssyncadd.s32 $0xFFFFFFFF  }
0x96: {  	s17 =	sld [smem:$0x11];
	(tm) =	ssettm $0x1  }
0x97: {  	s18 =	sld [smem:$0x3FFB];
	_ =	sdelay $0x3  }
0x98: {  	_ =	strace s18  }
0x99: {  	s4 =	sld [smem:$0x3FFC];
	_ =	sdelay $0x3  }
0x9a: {  	_ =	strace s4  }
0x9b: {  	s4 =	sld [smem:$0x3FFD];
	_ =	sdelay $0x3  }
0x9c: {  	_ =	strace s4  }
0x9d: {  	_ =	strace $0x8FFFFFFF  }
0x9e: {  	s19 =	sld [smem:$0x3FDB];
	_ =	sdelay $0x1  }
0x9f: {  	s5 =	simm.s32 $_scs_section_size  }
0xa0: {  	s6 =	simm.s32 $_size__tile_overlayer_lowered;
	s7 =	simm.s32 $_tile_overlayer_lowered  }
0xa1: {  	s22 =	simm.s32 $0x1BFF;
	s21 =	sshll.u32 s7, $0x1;
	s4 =	sadd.s32 s5, s19  }
0xa2: {  	s8 =	simm.s32 $0x0;
	s20 =	sshll.u32 s6, $0x1;
	s6 =	sadd.s32 s21, s4  }
0xa3: {  	[timem:s8], [sflag:s22] =	dma.local [hbm:s6], s20  }
0xa4: {  	_ =	swait.ge [sflag:s22], s20  }
0xa5: {  	s5 =	ssub.s32 $0x0, s20;
	[sflag:s22] =	ssyncset.done $0x0  }
0xa6: {  	[sflag:s22] =	ssyncadd.s32 s5;
	_ =	sdelay $0x1  }
0xa7: {  	s23 =	simm.s32 $0x1B8B  }
0xa8: {  	_ =	swait.ge [sflag:s23], $0x1  }
0xa9: {  	[sflag:s23] =	ssyncset.done $0x0  }
0xaa: {  	s25 =	simm.s32 $0x1B8E;
	s24 =	sld [smem:$0x3FFE];
	[sflag:s23] =	ssyncadd.s32 $0xFFFFFFFF  }
0xab: {  	s26 =	simm.s32 $execute0_lowered;
	[smem:$0x3FD2] =	sst s25  }
0xac: {  	s6 =	sshll.u32 s26, $0x1;
	_ =	strace $0x80000046;
	[dreg:$0x1] =	wrdreg $0xFFFFFFFF  }
0xad: {  	s28 =	simm.s32 $_size_execute0_lowered;
	s4 =	sadd.s32 s4, s6;
	[dreg:$0x0] =	wrdreg $0x0  }
0xae: {  	s6 =	sshll.u32 s28, $0x1;
	[dreg:$0x2] =	wrdreg s4  }
0xaf: {  	[dreg:$0x3] =	wrdreg s6  }
0xb0: {  	[dreg:$0x4] =	wrdreg $0xC0  }
0xb1: {  	_ =	task [dreg:s8], $0x5FFFF  }
0xb2: {  	[dreg:$0x1] =	wrdreg $0xFFFFFFFF  }
0xb3: {  	[dreg:$0x0] =	wrdreg $0x60  }
0xb4: {  	[dreg:$0x2] =	wrdreg s17  }
0xb5: {  	[dreg:$0x3] =	wrdreg s16  }
0xb6: {  	[dreg:$0x4] =	wrdreg s24  }
0xb7: {  	[dreg:$0x5] =	wrdreg $0x0  }
0xb8: {  	[dreg:$0x6] =	wrdreg $0x9  }
0xb9: {  	_ =	task.clear_ibuf [dreg:s8], $0x7FFFF;
	_ =	strace $0x90000046  }
0xba: {  	s29 =	simm.s32 $0x9;
	_ =	strace $0x80000048  }
0xbb: {  	_ =	swait.ge [sflag:s29], $0x1  }
0xbc: {  	[sflag:s29] =	ssyncadd.s32 $0xFFFFFFFF  }
0xbd: {  	_ =	strace $0x90000048  }
0xbe: {  	_ =	sfence  }
0xbf: {  	s30 =	sld [smem:$0x0];
	_ =	sdelay $0x2  }
0xc0: {  	s31 =	sshll.u32 s1, $0xD;
	s1 =	sshrl.u32 s1, $0x2  }
0xc1: {  	s3 =	sand.u32 $0x4000, s31;
	s1 =	sadd.s32 s1, s30  }
0xc2: {  	s0 =	sor.u32 s3, s0;
	s1 =	sshll.u32 s1, $0x11  }
0xc3: {  	s0 =	sor.u32 s1, s0  }
0xc4: {  	s0 =	sadd.s32 $0x8F2B, s0  }
0xc5: {  	[sflag:s0] =	ssyncadd.remote.s32 $0x1  }
0xc6: {  	_ =	sfence.sel $0xFFFF  }
0xc7: {  	[dreg:$0x0] =	wrdreg $0xFFFFFFFF;
	(pc) =	sbr.abs _section_cstart, $3  }
0xc8: {  	[dreg:$0x1] =	wrdreg $0xFFFFFFFF  }
0xc9: {  	_ =	task.clear_ibuf [dreg:s8], $0x2FFFF;
	_ =	strace $0x9FFFFFFF  }
0xca: {  	(tm) =	ssettm $0x7FFFFFFF  }
0xcb: {  	_ =	shalt  }
tec
execute0_lowered:
.L_overlay_start_1:
0x0: {  	(tag) =	ssettag $0x1  }
0x1: {  	s1 =	rddreg [dreg:$0x0]  }
0x2: {  	s2 =	rddreg [dreg:$0x1]  }
0x3: {  	s0 =	rddreg [dreg:$0x2]  }
0x4: {  	s3 =	rddreg [dreg:$0x3];
	s5 =	srdreg.scid;
	s4 =	simm.s32 $0x0  }
0x5: {  	s6 =	stileid.u32;
	s21 =	simm.s32 $0x14100;
	s28 =	simm.s32 $0x2  }
0x6: {  	s29 =	simm.s32 $0x19180;
	s30 =	simm.s32 $0x0;
	s11 =	smul.u32 $0x4E20, s6  }
0x7: {  	s5 =	sand.u32 $0x1, s5;
	[smem:$0x7FF] =	sst s4;
	s13 =	smul.u32 $0x140, s6  }
0x8: {  	s0 =	sadd.s32 $0x2E00, s0;
	s22 =	sadd.s32 $0x140000, s3;
	s24 =	smul.u32 $0x4E200, s6  }
0x9: {  	s12 =	smul.u32 $0x50000, s6;
	p0 =	sne.s32 s6, $0x0;
	s7 =	ssub.s32 $0x2, s5  }
0xa: {  	_ =	strace $0x80000047;
	s5 =	smul.u32 $0x1400, s5;
	[dreg:$0x5] =	wrdreg s22  }
0xb: {  	s22 =	simm.s32 $0x3;
	s8 =	sshrl.u32 s7, $0x1;
	s23 =	sshrl.u32 s11, $0x3  }
0xc: {  	s9 =	sadd.s32 $0x50, s11;
	s12 =	sshrl.u32 s12, $0x2;
	s18 =	sadd.s32 $0x50, s13  }
0xd: {  	s25 =	sadd.s32 $0xA0, s13;
	s19 =	sadd.s32 $0xF0, s13;
	s8 =	ssub.s32 s7, s8  }
0xe: {  	s7 =	sadd.s32 s2, s23;
	s10 =	sshrl.u32 s9, $0x3;
	s9 =	sshll.u32 s9, $0x4  }
0xf: {  	s12 =	sadd.s32 s12, s3;
	s14 =	sshll.u32 s18, $0x8;
	s15 =	sshll.u32 s25, $0x8  }
0x10: {  	s13 =	sadd.s32 s5, s13;
	s16 =	sshll.u32 s19, $0x8;
	s26 =	sadd.s32 s5, s18  }
0x11: {  	s19 =	sadd.s32 s5, s19;
	s23 =	simm.s32 $0x14080;
	[dreg:$0x6] =	wrdreg s7  }
0x12: {  	s7 =	sadd.s32 s1, s24;
	s10 =	sadd.s32 s2, s10;
	s9 =	sadd.s32 s1, s9  }
0x13: {  	s8 =	smax.u32 s8, $0x1;
	s14 =	sadd.s32 s14, s3;
	s15 =	sadd.s32 s15, s3  }
0x14: {  	s13 =	sshll.u32 s13, $0x5;
	s16 =	sadd.s32 s16, s3;
	s31 =	sshll.u32 s19, $0x5  }
.Ltmp0:
0x15: {  	s24 =	simm.s32 $0x19100;
	[dreg:$0x7] =	wrdreg s10;
	(pc) =	sbr.rel .LBB2_1-.Ltmp0, $4  }
0x16: {  	s10 =	sadd.s32 $0xA0, s11;
	s11 =	sadd.s32 $0xF0, s11;
	[dreg:$0x8] =	wrdreg s8  }
0x17: {  	s17 =	sadd.s32 s0, s13;
	s13 =	sshll.u32 s26, $0x5;
	s8 =	sadd.s32 s5, s25  }
0x18: {  	v0 =	vimm.f32 $0.0e+00;
	vm0 =	vcmask $0x300;
	s20 =	sadd.s32 s0, s31;
	s25 =	simm.s32 $0x1;
	s8 =	sshll.u32 s8, $0x5  }
0x19: {  	v2 =	vsel vm0, $0x3F800000, v0;
	v1 =	vmov s5;
	s26 =	simm.s32 $0x50;
	s18 =	sadd.s32 s0, s13;
	s19 =	sadd.s32 s0, s8  }
.LBB2_18:
0x1a: {  	[bflag:$0x0] =	sbarrier.arrive $0xFFFF  }
0x1b: {  	[tilespmem:s21], [sflag:$0x3] =	stream.linear.gather [spmem:s12], $0x5000, $0x38;
	[tilespmem:$0x1E180] =	vst v63  }
0x1c: {  	_ =	swait.ge [sflag:s22], $0x5000  }
0x1d: {  	[sflag:s22] =	ssyncset.done $0x0  }
0x1e: {  	[sflag:s22] =	ssyncadd.s32 $0xFFFFB000  }
0x1f: {  	[hbm4b:s17+s4] =	stream.linear.scatter [tilespmem:s21], [sflag:$0x3], $0x5000, $0x38;
	[tilespmem:$0x1E180] =	vst v63  }
0x20: {  	_ =	swait.ge [sflag:s22], $0x5000  }
0x21: {  	[sflag:s22] =	ssyncset.done $0x0  }
0x22: {  	[sflag:s22] =	ssyncadd.s32 $0xFFFFB000  }
0x23: {  	[tilespmem:s21], [sflag:$0x3] =	stream.linear.gather [spmem:s14], $0x5000, $0x38;
	[tilespmem:$0x1E180] =	vst v63  }
0x24: {  	_ =	swait.ge [sflag:s22], $0x5000  }
0x25: {  	[sflag:s22] =	ssyncset.done $0x0  }
0x26: {  	[sflag:s22] =	ssyncadd.s32 $0xFFFFB000  }
0x27: {  	[hbm4b:s18+s4] =	stream.linear.scatter [tilespmem:s21], [sflag:$0x3], $0x5000, $0x38;
	[tilespmem:$0x1E180] =	vst v63  }
0x28: {  	_ =	swait.ge [sflag:s22], $0x5000  }
0x29: {  	[sflag:s22] =	ssyncset.done $0x0  }
0x2a: {  	[sflag:s22] =	ssyncadd.s32 $0xFFFFB000  }
0x2b: {  	[tilespmem:s21], [sflag:$0x3] =	stream.linear.gather [spmem:s15], $0x5000, $0x38;
	[tilespmem:$0x1E180] =	vst v63  }
0x2c: {  	_ =	swait.ge [sflag:s22], $0x5000  }
0x2d: {  	[sflag:s22] =	ssyncset.done $0x0  }
0x2e: {  	[sflag:s22] =	ssyncadd.s32 $0xFFFFB000  }
0x2f: {  	[hbm4b:s19+s4] =	stream.linear.scatter [tilespmem:s21], [sflag:$0x3], $0x5000, $0x38;
	[tilespmem:$0x1E180] =	vst v63  }
0x30: {  	_ =	swait.ge [sflag:s22], $0x5000  }
0x31: {  	[sflag:s22] =	ssyncset.done $0x0  }
0x32: {  	[sflag:s22] =	ssyncadd.s32 $0xFFFFB000  }
0x33: {  	[tilespmem:s21], [sflag:$0x3] =	stream.linear.gather [spmem:s16], $0x5000, $0x38;
	[tilespmem:$0x1E180] =	vst v63  }
0x34: {  	_ =	swait.ge [sflag:s22], $0x5000  }
0x35: {  	[sflag:s22] =	ssyncset.done $0x0  }
0x36: {  	[sflag:s22] =	ssyncadd.s32 $0xFFFFB000  }
0x37: {  	[hbm4b:s20+s4] =	stream.linear.scatter [tilespmem:s21], [sflag:$0x3], $0x5000, $0x38;
	[tilespmem:$0x1E180] =	vst v63  }
0x38: {  	_ =	swait.ge [sflag:s22], $0x5000  }
0x39: {  	s30 =	sadd.s32 $0x1, s30;
	s0 =	rddreg [dreg:$0x8]  }
0x3a: {  	p1 =	sne.s32 s30, s0  }
.Ltmp1:
0x3b: {  	_ = 	snop;
	(pc) =	sbr.rel @!p1 .LBB2_19-.Ltmp1, $3  }
0x3c: {  	_ =	sdelay $0x1  }
0x3d: {  	[sflag:s22] =	ssyncset.done $0x0  }
0x3e: {  	[sflag:s22] =	ssyncadd.s32 $0xFFFFB000  }
.LBB2_1:
0x3f: {  	s31 =	simm.s32 $0x0;
	s0 =	simm.s32 $0x400  }
.LBB2_2:
0x40: {  	p1 =	sne.s32 s0, $0x13C00;
	[tilespmem:s31+$0x19270] =	vst v0  }
0x41: {  	[tilespmem:s31+$0x14100] =	vst v0  }
0x42: {  	[tilespmem:s31+$0x19180] =	vst v0  }
0x43: {  	[tilespmem:s31+$0x14110] =	vst v0  }
0x44: {  	[tilespmem:s31+$0x19190] =	vst v0  }
0x45: {  	[tilespmem:s31+$0x14120] =	vst v0  }
0x46: {  	[tilespmem:s31+$0x191A0] =	vst v0  }
0x47: {  	[tilespmem:s31+$0x14130] =	vst v0  }
0x48: {  	[tilespmem:s31+$0x191B0] =	vst v0  }
0x49: {  	[tilespmem:s31+$0x14140] =	vst v0  }
0x4a: {  	[tilespmem:s31+$0x191C0] =	vst v0  }
0x4b: {  	[tilespmem:s31+$0x14150] =	vst v0  }
0x4c: {  	[tilespmem:s31+$0x191D0] =	vst v0  }
0x4d: {  	[tilespmem:s31+$0x14160] =	vst v0  }
0x4e: {  	[tilespmem:s31+$0x191E0] =	vst v0  }
0x4f: {  	[tilespmem:s31+$0x14170] =	vst v0  }
0x50: {  	[tilespmem:s31+$0x191F0] =	vst v0  }
0x51: {  	[tilespmem:s31+$0x14180] =	vst v0  }
0x52: {  	[tilespmem:s31+$0x19200] =	vst v0  }
0x53: {  	[tilespmem:s31+$0x14190] =	vst v0  }
0x54: {  	[tilespmem:s31+$0x19210] =	vst v0  }
0x55: {  	[tilespmem:s31+$0x141A0] =	vst v0  }
0x56: {  	[tilespmem:s31+$0x19220] =	vst v0  }
0x57: {  	[tilespmem:s31+$0x141B0] =	vst v0  }
0x58: {  	[tilespmem:s31+$0x19230] =	vst v0  }
0x59: {  	[tilespmem:s31+$0x141C0] =	vst v0  }
0x5a: {  	[tilespmem:s31+$0x19240] =	vst v0  }
.Ltmp2:
0x5b: {  	[tilespmem:s31+$0x141D0] =	vst v0;
	(pc) =	sbr.rel @p1 .LBB2_2-.Ltmp2, $4  }
0x5c: {  	[tilespmem:s31+$0x19250] =	vst v0  }
0x5d: {  	[tilespmem:s31+$0x141E0] =	vst v0  }
0x5e: {  	[tilespmem:s31+$0x19260] =	vst v0  }
0x5f: {  	[tilespmem:s31+$0x141F0] =	vst v0;
	s31 =	sshra.s32 s0, $0x2;
	s0 =	sadd.s32 $0x400, s0  }
0x60: {  	[tilespmem:s31+$0x19270] =	vst v0  }
0x61: {  	[tilespmem:s31+$0x14100] =	vst v0  }
0x62: {  	[tilespmem:s31+$0x19180] =	vst v0  }
0x63: {  	[tilespmem:s31+$0x14110] =	vst v0  }
0x64: {  	[tilespmem:s31+$0x19190] =	vst v0  }
0x65: {  	[tilespmem:s31+$0x14120] =	vst v0  }
0x66: {  	[tilespmem:s31+$0x191A0] =	vst v0  }
0x67: {  	[tilespmem:s31+$0x14130] =	vst v0  }
0x68: {  	[tilespmem:s31+$0x191B0] =	vst v0  }
0x69: {  	[tilespmem:s31+$0x14140] =	vst v0  }
0x6a: {  	[tilespmem:s31+$0x191C0] =	vst v0  }
0x6b: {  	[tilespmem:s31+$0x14150] =	vst v0  }
0x6c: {  	[tilespmem:s31+$0x191D0] =	vst v0  }
0x6d: {  	[tilespmem:s31+$0x14160] =	vst v0  }
0x6e: {  	[tilespmem:s31+$0x191E0] =	vst v0  }
0x6f: {  	[tilespmem:s31+$0x14170] =	vst v0  }
0x70: {  	[tilespmem:s31+$0x191F0] =	vst v0  }
0x71: {  	[tilespmem:s31+$0x14180] =	vst v0  }
0x72: {  	[tilespmem:s31+$0x19200] =	vst v0  }
0x73: {  	[tilespmem:s31+$0x14190] =	vst v0  }
0x74: {  	[tilespmem:s31+$0x19210] =	vst v0  }
0x75: {  	[tilespmem:s31+$0x141A0] =	vst v0  }
0x76: {  	[tilespmem:s31+$0x19220] =	vst v0  }
0x77: {  	[tilespmem:s31+$0x141B0] =	vst v0  }
0x78: {  	[tilespmem:s31+$0x19230] =	vst v0  }
0x79: {  	[tilespmem:s31+$0x141C0] =	vst v0  }
0x7a: {  	[tilespmem:s31+$0x19240] =	vst v0  }
0x7b: {  	[tilespmem:s31+$0x141D0] =	vst v0  }
0x7c: {  	[tilespmem:s31+$0x19250] =	vst v0  }
0x7d: {  	[tilespmem:s31+$0x141E0] =	vst v0  }
0x7e: {  	[tilespmem:s31+$0x19260] =	vst v0  }
0x7f: {  	[tilespmem:s31+$0x141F0] =	vst v0  }
0x80: {  	[spmem:s12] =	stream.linear.scatter [tilespmem:s21], [sflag:$0x3], $0x5000, $0x38;
	[tilespmem:$0x1E180] =	vst v63  }
0x81: {  	_ =	swait.ge [sflag:s22], $0x5000  }
0x82: {  	[sflag:s22] =	ssyncset.done $0x0  }
0x83: {  	[sflag:s22] =	ssyncadd.s32 $0xFFFFB000  }
0x84: {  	[spmem:s14] =	stream.linear.scatter [tilespmem:s21], [sflag:$0x3], $0x5000, $0x38;
	[tilespmem:$0x1E180] =	vst v63  }
0x85: {  	_ =	swait.ge [sflag:s22], $0x5000  }
0x86: {  	[sflag:s22] =	ssyncset.done $0x0  }
0x87: {  	[sflag:s22] =	ssyncadd.s32 $0xFFFFB000  }
0x88: {  	[spmem:s15] =	stream.linear.scatter [tilespmem:s21], [sflag:$0x3], $0x5000, $0x38;
	[tilespmem:$0x1E180] =	vst v63  }
0x89: {  	_ =	swait.ge [sflag:s22], $0x5000  }
0x8a: {  	[sflag:s22] =	ssyncset.done $0x0  }
0x8b: {  	[sflag:s22] =	ssyncadd.s32 $0xFFFFB000  }
0x8c: {  	[spmem:s16] =	stream.linear.scatter [tilespmem:s21], [sflag:$0x3], $0x5000, $0x38;
	[tilespmem:$0x1E180] =	vst v63  }
0x8d: {  	_ =	swait.ge [sflag:s22], $0x5000  }
0x8e: {  	[sflag:s22] =	ssyncset.done $0x0  }
0x8f: {  	s0 =	simm.s32 @!p0 $0x14100;
	s5 =	rddreg [dreg:$0x5];
	[sflag:s22] =	ssyncadd.s32 $0xFFFFB000  }
0x90: {  	[spmem:s5] =	stream.linear.scatter @!p0 [tilespmem:s0], [sflag:$0x3], $0x800, $0x38;
	[tilespmem:$0x1E180] =	vst v63  }
0x91: {  	s0 =	simm.s32 @!p0 $0x3  }
0x92: {  	_ =	swait.ge @!p0 [sflag:s0], $0x800  }
0x93: {  	[sflag:s0] =	ssyncset.done @!p0 $0x0  }
0x94: {  	s5 =	simm.s32 $0x80;
	[sflag:s0] =	ssyncadd.s32 @!p0 $0xFFFFF800;
	s0 =	simm.s32 $0x600  }
.LBB2_4:
0x95: {  	p1 =	sne.s32 s0, $0x13E00;
	[tilespmem:s5+$0x14100] =	vst v2;
	s6 =	smov.u32 s0;
	s0 =	sadd.s32 $0x400, s0  }
.Ltmp3:
0x96: {  	[tilespmem:s5+$0x19180] =	vst v2;
	(pc) =	sbr.rel @p1 .LBB2_4-.Ltmp3, $2  }
0x97: {  	_ =	sdelay $0x2  }
0x98: {  	s5 =	sshra.s32 s6, $0x2  }
0x99: {  	[tilespmem:s5+$0x14100] =	vst v2  }
0x9a: {  	[tilespmem:s5+$0x19180] =	vst v2  }
0x9b: {  	[bflag:$0x0] =	sbarrier.arrive $0xFFFF  }
0x9c: {  	s0 =	simm.s32 $0x0;
	s5 =	simm.s32 $0x10;
	s31 =	rddreg [dreg:$0x6]  }
0x9d: {  	[tilespmem:s23], [sflag:$0x1] =	stream.linear.gather [hbm4b:s31+s0], $0x50, $0x38;
	[tilespmem:$0x1E180] =	vst v63  }
0x9e: {  	s8 =	sadd.s32 $0x0, s7;
	s6 =	simm.s32 $0x14200;
	s0 =	simm.s32 $0x14100  }
.LBB2_6:
0x9f: {  	[tilespmem:s0], [sflag:$0x1] =	stream.linear.gather [hbm4b:s8+s4], $0x80, $0x38;
	[tilespmem:$0x1E180] =	vst v63  }
0xa0: {  	s8 =	smov.u32 s5;
	s0 =	smov.u32 s6;
	p1 =	sne.s32 s5, $0x4F0  }
.Ltmp4:
0xa1: {  	s5 =	sadd.s32 $0x10, s5;
	(pc) =	sbr.rel @p1 .LBB2_6-.Ltmp4, $2  }
0xa2: {  	_ =	sdelay $0x2  }
0xa3: {  	s6 =	sadd.s32 $0x100, s6;
	s8 =	sadd.s32 s8, s7  }
0xa4: {  	[tilespmem:s0], [sflag:$0x1] =	stream.linear.gather [hbm4b:s8+s4], $0x80, $0x38;
	[tilespmem:$0x1E180] =	vst v63  }
0xa5: {  	s31 =	simm.s32 $0x0;
	s13 =	rddreg [dreg:$0x7];
	s0 =	simm.s32 $0x19180  }
0xa6: {  	s5 =	simm.s32 $0x10;
	s8 =	sadd.s32 $0x0, s9;
	s6 =	simm.s32 $0x19280  }
0xa7: {  	[tilespmem:s24], [sflag:$0x2] =	stream.linear.gather [hbm4b:s13+s31], $0x50, $0x38;
	[tilespmem:$0x1E180] =	vst v63  }
.LBB2_8:
0xa8: {  	[tilespmem:s0], [sflag:$0x2] =	stream.linear.gather [hbm4b:s8+s31], $0x80, $0x38;
	[tilespmem:$0x1E180] =	vst v63  }
0xa9: {  	s8 =	smov.u32 s5;
	s0 =	smov.u32 s6;
	p1 =	sne.s32 s5, $0x4F0  }
.Ltmp5:
0xaa: {  	s5 =	sadd.s32 $0x10, s5;
	(pc) =	sbr.rel @p1 .LBB2_8-.Ltmp5, $2  }
0xab: {  	_ =	sdelay $0x2  }
0xac: {  	s6 =	sadd.s32 $0x100, s6;
	s8 =	sadd.s32 s8, s9  }
0xad: {  	[tilespmem:s0], [sflag:$0x2] =	stream.linear.gather [hbm4b:s8+s31], $0x80, $0x38;
	[tilespmem:$0x1E180] =	vst v63  }
.LBB2_10:
0xae: {  	_ =	swait.ge [sflag:s25], $0x50  }
0xaf: {  	[sflag:s25] =	ssyncset.done $0x0  }
0xb0: {  	[sflag:s25] =	ssyncadd.s32 $0xFFFFFFB0  }
0xb1: {  	_ =	swait.ge [sflag:s25], $0x2800  }
0xb2: {  	[sflag:s25] =	ssyncset.done $0x0  }
0xb3: {  	[sflag:s25] =	ssyncadd.s32 $0xFFFFD800  }
0xb4: {  	v3 =	vld [tilespmem:$0x14080]  }
0xb5: {  	v4 =	vld [tilespmem:$0x14090]  }
0xb6: {  	v5 =	vld [tilespmem:$0x140A0]  }
0xb7: {  	v6 =	vld [tilespmem:$0x140B0]  }
0xb8: {  	v7 =	vld [tilespmem:$0x140C0]  }
0xb9: {  	v3 =	vsub.s32 v3, v1  }
0xba: {  	v4 =	vsub.s32 v4, v1;
	v3 =	vmin.u32 v3, $0x1400  }
0xbb: {  	v61 =	vsub.s32 v5, v1;
	[tilespmem:$0x14080] =	vst v3;
	v3 =	vmin.u32 v4, $0x1400  }
0xbc: {  	v62 =	vsub.s32 v6, v1;
	[tilespmem:$0x14090] =	vst v3;
	v3 =	vmin.u32 v61, $0x1400  }
0xbd: {  	v63 =	vsub.s32 v7, v1;
	[tilespmem:$0x140A0] =	vst v3;
	v3 =	vmin.u32 v62, $0x1400  }
0xbe: {  	p1 =	seq.s32 s31, $0x7C;
	[tilespmem:$0x140B0] =	vst v3;
	v3 =	vmin.u32 v63, $0x1400  }
.Ltmp6:
0xbf: {  	[tilespmem:$0x140C0] =	vst v3;
	(pc) =	sbr.rel @p1 .LBB2_14-.Ltmp6, $4  }
0xc0: {  	[spmem:s3] =	stream.indirect.scatter.add.f32 [tilespmem:s21], [sflag:$0x3], $0x100, s23, s26, $0xb8;
	[tilespmem:$0x1E180] =	vst v63  }
0xc1: {  	_ =	swait.ge [sflag:s22], $0x5000  }
0xc2: {  	[sflag:s22] =	ssyncset.done $0x0  }
0xc3: {  	[sflag:s22] =	ssyncadd.s32 $0xFFFFB000  }
0xc4: {  	s0 =	smul.u32 $0xA0, s31;
	_ =	sdelay $0x1  }
0xc5: {  	s0 =	sadd.s32 s0, s10  }
0xc6: {  	s6 =	simm.s32 $0x0;
	s5 =	sshrl.u32 s0, $0x3;
	s0 =	sshll.u32 s0, $0x4  }
0xc7: {  	s8 =	simm.s32 $0x14200;
	s5 =	sadd.s32 s2, s5;
	s0 =	sadd.s32 s1, s0  }
0xc8: {  	[tilespmem:s23], [sflag:$0x1] =	stream.linear.gather [hbm4b:s5+s6], $0x50, $0x38;
	[tilespmem:$0x1E180] =	vst v63  }
0xc9: {  	s5 =	simm.s32 $0x14100;
	s6 =	simm.s32 $0x10;
	s13 =	sadd.s32 $0x0, s0  }
.LBB2_12:
0xca: {  	[tilespmem:s5], [sflag:$0x1] =	stream.linear.gather [hbm4b:s13+s4], $0x80, $0x38;
	[tilespmem:$0x1E180] =	vst v63  }
0xcb: {  	s13 =	smov.u32 s6;
	s5 =	smov.u32 s8;
	p2 =	sne.s32 s6, $0x4F0  }
.Ltmp7:
0xcc: {  	s6 =	sadd.s32 $0x10, s6;
	(pc) =	sbr.rel @p2 .LBB2_12-.Ltmp7, $2  }
0xcd: {  	_ =	sdelay $0x2  }
0xce: {  	s8 =	sadd.s32 $0x100, s8;
	s13 =	sadd.s32 s13, s0  }
0xcf: {  	[tilespmem:s5], [sflag:$0x1] =	stream.linear.gather [hbm4b:s13+s4], $0x80, $0x38;
	[tilespmem:$0x1E180] =	vst v63  }
.LBB2_14:
0xd0: {  	_ =	swait.ge [sflag:s28], $0x50  }
0xd1: {  	[sflag:s28] =	ssyncset.done $0x0  }
0xd2: {  	[sflag:s28] =	ssyncadd.s32 $0xFFFFFFB0  }
0xd3: {  	_ =	swait.ge [sflag:s28], $0x2800  }
0xd4: {  	[sflag:s28] =	ssyncset.done $0x0  }
0xd5: {  	[sflag:s28] =	ssyncadd.s32 $0xFFFFD800  }
0xd6: {  	v3 =	vld [tilespmem:$0x19100]  }
0xd7: {  	v4 =	vld [tilespmem:$0x19110]  }
0xd8: {  	v5 =	vld [tilespmem:$0x19120]  }
0xd9: {  	v6 =	vld [tilespmem:$0x19130]  }
0xda: {  	v7 =	vld [tilespmem:$0x19140]  }
0xdb: {  	v3 =	vsub.s32 v3, v1  }
0xdc: {  	v4 =	vsub.s32 v4, v1;
	v3 =	vmin.u32 v3, $0x1400  }
0xdd: {  	v61 =	vsub.s32 v5, v1;
	[tilespmem:$0x19100] =	vst v3;
	v3 =	vmin.u32 v4, $0x1400  }
0xde: {  	v62 =	vsub.s32 v6, v1;
	[tilespmem:$0x19110] =	vst v3;
	v3 =	vmin.u32 v61, $0x1400  }
0xdf: {  	v63 =	vsub.s32 v7, v1;
	[tilespmem:$0x19120] =	vst v3;
	v3 =	vmin.u32 v62, $0x1400  }
0xe0: {  	[tilespmem:$0x19130] =	vst v3;
	v3 =	vmin.u32 v63, $0x1400  }
.Ltmp8:
0xe1: {  	[tilespmem:$0x19140] =	vst v3;
	(pc) =	sbr.rel @p1 .LBB2_18-.Ltmp8, $4  }
0xe2: {  	[spmem:s3] =	stream.indirect.scatter.add.f32 [tilespmem:s29], [sflag:$0x3], $0x100, s24, s26, $0xb8;
	[tilespmem:$0x1E180] =	vst v63  }
0xe3: {  	_ =	swait.ge [sflag:s22], $0x5000  }
0xe4: {  	[sflag:s22] =	ssyncset.done $0x0  }
0xe5: {  	[sflag:s22] =	ssyncadd.s32 $0xFFFFB000  }
0xe6: {  	s0 =	smul.u32 $0xA0, s31;
	_ =	sdelay $0x1  }
0xe7: {  	s0 =	sadd.s32 s0, s11  }
0xe8: {  	s6 =	simm.s32 $0x0;
	s5 =	sshrl.u32 s0, $0x3;
	s0 =	sshll.u32 s0, $0x4  }
0xe9: {  	s8 =	simm.s32 $0x19280;
	s5 =	sadd.s32 s2, s5;
	s0 =	sadd.s32 s1, s0  }
0xea: {  	[tilespmem:s24], [sflag:$0x2] =	stream.linear.gather [hbm4b:s5+s6], $0x50, $0x38;
	[tilespmem:$0x1E180] =	vst v63  }
0xeb: {  	s5 =	simm.s32 $0x19180;
	s6 =	simm.s32 $0x10;
	s13 =	sadd.s32 $0x0, s0  }
.LBB2_16:
0xec: {  	[tilespmem:s5], [sflag:$0x2] =	stream.linear.gather [hbm4b:s13+s4], $0x80, $0x38;
	[tilespmem:$0x1E180] =	vst v63  }
0xed: {  	s13 =	smov.u32 s6;
	s5 =	smov.u32 s8;
	p1 =	sne.s32 s6, $0x4F0  }
.Ltmp9:
0xee: {  	s6 =	sadd.s32 $0x10, s6;
	(pc) =	sbr.rel @p1 .LBB2_16-.Ltmp9, $2  }
0xef: {  	_ =	sdelay $0x2  }
0xf0: {  	s8 =	sadd.s32 $0x100, s8;
	s13 =	sadd.s32 s13, s0  }
.Ltmp10:
0xf1: {  	(pc) =	sbr.rel .LBB2_10-.Ltmp10, $3  }
0xf2: {  	_ =	sdelay $0x1  }
0xf3: {  	[tilespmem:s5], [sflag:$0x2] =	stream.linear.gather [hbm4b:s13+s4], $0x80, $0x38;
	[tilespmem:$0x1E180] =	vst v63  }
0xf4: {  	s31 =	sadd.s32 $0x1, s31  }
.LBB2_19:
0xf5: {  	_ =	sfence.sel $0x180000  }
0xf6: {  	[bflag:$0x0] =	sbarrier.arrive $0xFFFF  }
0xf7: {  	_ =	strace $0x90000047  }
0xf8: {  	[bflag:$0x2] =	sbarrier.arrive $0xFFFF  }
0xf9: {  	s0 =	rddreg [dreg:$0x4]  }
0xfa: {  	s0 =	sadd.s32 @!p0 $0x100000, s0  }
0xfb: {  	[sflag:s0] =	ssyncadd.tile.s32 @!p0 $0x1;
	_ =	shalt  }
.Lfunc_end2:
_tile_overlayer_lowered:
.L_overlay_start_2:
0xfc: {  	(tag) =	ssettag $0x2  }
0xfd: {  	s0 =	rddreg [dreg:$0x0];
	s2 =	stileid.u32  }
0xfe: {  	s1 =	rddreg [dreg:$0x1];
	p0 =	sne.s32 s2, $0x0  }
0xff: {  	s3 =	rddreg [dreg:$0x2];
	[bflag:$0x3] =	sbarrier.arrive $0xFFFF;
	s2 =	simm.s32 @!p0 $0x1C03  }
0x100: {  	[timem:s3], [sflag:s2] =	dma.local @!p0 [hbm:s0], s1  }
0x101: {  	s0 =	simm.s32 @!p0 $0x3  }
0x102: {  	_ =	swait.ge @!p0 [sflag:s0], s1  }
0x103: {  	s1 =	ssub.s32 @!p0 $0x0, s1;
	[sflag:s0] =	ssyncset.done @!p0 $0x0  }
0x104: {  	[sflag:s0] =	ssyncadd.s32 @!p0 s1  }
0x105: {  	[bflag:$0x3] =	sbarrier.arrive $0xFFFF  }
0x106: {  	_ =	shalt  }

</sc_bundles>
